<compile_context>
chip_gen: v7x
topology: tpu7x:2x2x1
jax: 0.10.2.dev20260603
libtpu: 0.0.44.dev20260713+nightly
codegen_flags: <defaults>
</compile_context>

<pallas_src>
import jax
import jax.numpy as jnp
from jax import lax
from jax.experimental import pallas as pl
from jax.experimental.pallas import tpu as pltpu
from jax.experimental.pallas import tpu_sc as plsc

N = 10000
E = 320000
D = 128
H = D // 2
G = 64

NC = 2
NS = 16
BATCH = 128
NBUF = 4
LOOK = 3
EPW = (E + NS - 1) // NS
NB = -(-EPW // (BATCH * NBUF)) * NBUF
EPAD = NS * NB * BATCH
CH = 640
NPAD = NS * CH
DUMMY = N

BLK = 2000


def _make_sc_agg(with_cnt):
    def body(*refs):
        if with_cnt:
            (x_hbm, src_hbm, dst_hbm, z2_hbm, z1_hbm, agg_out, cnt_out,
             src_v, dst_v, r0, r1, r2, r3, ones_v,
             agg_sh, cnt_sh, g0, g1, g2, g3) = refs
        else:
            (x_hbm, src_hbm, dst_hbm, z2_hbm, agg_out,
             src_v, dst_v, r0, r1, r2, r3, agg_sh,
             g0, g1, g2, g3) = refs
        rows = (r0, r1, r2, r3)
        gsem = (g0, g1, g2, g3)
        c = lax.axis_index("c")
        s = lax.axis_index("s")

        pltpu.sync_copy(z2_hbm, agg_sh.at[pl.ds(s * CH, CH)])
        pltpu.sync_copy(src_hbm.at[c, s], src_v)
        pltpu.sync_copy(dst_hbm.at[s], dst_v)

        if with_cnt:
            @pl.when(c == 0)
            def _():
                pltpu.sync_copy(z1_hbm, cnt_sh.at[pl.ds(s * CH, CH)])

            for i in range(BATCH // 16):
                ones_v[pl.ds(i * 16, 16)] = jnp.full((16,), 1.0, jnp.float32)

        for b in range(LOOK):
            pltpu.async_copy(x_hbm.at[src_v.at[b]], rows[b], gsem[b])
        plsc.subcore_barrier()

        @pl.loop(0, NB, step=NBUF)
        def _(gbase):
            for b in range(NBUF):
                i = gbase + b
                bn = (b + LOOK) % NBUF
                pltpu.make_async_copy(x_hbm.at[src_v.at[i]], rows[b],
                                      gsem[b]).wait()

                @pl.when(i + LOOK < NB)
                def _():
                    pltpu.async_copy(x_hbm.at[src_v.at[i + LOOK]], rows[bn],
                                     gsem[bn])

                pltpu.sync_copy(rows[b], agg_sh.at[dst_v.at[i]], add=True)

                if with_cnt:
                    @pl.when(c == 0)
                    def _():
                        pltpu.sync_copy(ones_v, cnt_sh.at[dst_v.at[i]],
                                        add=True)

        plsc.subcore_barrier()
        pltpu.sync_copy(agg_sh.at[pl.ds(s * CH, CH)],
                        agg_out.at[pl.ds(s * CH, CH), pl.ds(c * H, H)])

        if with_cnt:
            @pl.when(c == 0)
            def _():
                pltpu.sync_copy(cnt_sh.at[pl.ds(s * CH, CH)],
                                cnt_out.at[pl.ds(s * CH, CH)])

    out_type = jax.ShapeDtypeStruct((NPAD, D), jnp.float32)
    if with_cnt:
        out_type = [out_type, jax.ShapeDtypeStruct((NPAD,), jnp.float32)]
    scratch = [
        pltpu.VMEM((NB, BATCH), jnp.int32),
        pltpu.VMEM((NB, BATCH), jnp.int32),
    ] + [pltpu.VMEM((BATCH, H), jnp.float32)] * NBUF
    if with_cnt:
        scratch.append(pltpu.VMEM((BATCH,), jnp.float32))
    scratch.append(pltpu.VMEM_SHARED((NPAD, H), jnp.float32))
    if with_cnt:
        scratch.append(pltpu.VMEM_SHARED((NPAD,), jnp.float32))
    scratch += [pltpu.SemaphoreType.DMA] * NBUF
    return pl.kernel(
        body,
        out_type=out_type,
        mesh=plsc.VectorSubcoreMesh(core_axis_name="c", subcore_axis_name="s"),
        compiler_params=pltpu.CompilerParams(use_tc_tiling_on_sc=False,
                                             disable_bounds_checks=True),
        scratch_types=scratch,
    )


_sc_agg_cnt = _make_sc_agg(True)
_sc_agg_nocnt = _make_sc_agg(False)


def _layer1_body(agg_ref, cnt_ref, y_ref, wl_ref, wr_ref, b_ref, out_ref):
    rcp = 1.0 / jnp.maximum(cnt_ref[:], 1.0)
    out = (lax.dot_general(agg_ref[:] * rcp, wl_ref[:],
                           (((1,), (1,)), ((), ())),
                           preferred_element_type=jnp.float32)
           + lax.dot_general(y_ref[:], wr_ref[:], (((1,), (1,)), ((), ())),
                             preferred_element_type=jnp.float32)
           + b_ref[:])
    out_ref[:] = jnp.where(out >= 0.0, out, 0.01 * out)


def _layer2_body(agg_ref, cnt_ref, y_ref, wl_ref, wr_ref, b_ref, bat_ref,
                 node_ref, graph_ref):
    i = pl.program_id(0)
    rcp = 1.0 / jnp.maximum(cnt_ref[:], 1.0)
    nm = (lax.dot_general(agg_ref[:] * rcp, wl_ref[:],
                          (((1,), (1,)), ((), ())),
                          preferred_element_type=jnp.float32)
          + lax.dot_general(y_ref[:], wr_ref[:], (((1,), (1,)), ((), ())),
                            preferred_element_type=jnp.float32)
          + b_ref[:])
    node_ref[:] = nm
    onehot = (bat_ref[:] == lax.broadcasted_iota(jnp.int32, (BLK, G), 1)
              ).astype(jnp.float32)
    contrib = lax.dot_general(onehot, nm, (((0,), (0,)), ((), ())),
                              preferred_element_type=jnp.float32)

    @pl.when(i == 0)
    def _():
        graph_ref[:] = contrib

    @pl.when(i > 0)
    def _():
        graph_ref[:] += contrib


_COMMON_SPECS = [
    pl.BlockSpec((BLK, D), lambda i: (i, 0)),
    pl.BlockSpec((BLK, 1), lambda i: (i, 0)),
    pl.BlockSpec((BLK, D), lambda i: (i, 0)),
    pl.BlockSpec((D, D), lambda i: (0, 0)),
    pl.BlockSpec((D, D), lambda i: (0, 0)),
    pl.BlockSpec((1, D), lambda i: (0, 0)),
]

_layer1 = pl.pallas_call(
    _layer1_body,
    grid=(N // BLK,),
    in_specs=_COMMON_SPECS,
    out_specs=pl.BlockSpec((BLK, D), lambda i: (i, 0)),
    out_shape=jax.ShapeDtypeStruct((N, D), jnp.float32),
)

_layer2 = pl.pallas_call(
    _layer2_body,
    grid=(N // BLK,),
    in_specs=_COMMON_SPECS + [pl.BlockSpec((BLK, 1), lambda i: (i, 0))],
    out_specs=[
        pl.BlockSpec((BLK, D), lambda i: (i, 0)),
        pl.BlockSpec((G, D), lambda i: (0, 0)),
    ],
    out_shape=[
        jax.ShapeDtypeStruct((N, D), jnp.float32),
        jax.ShapeDtypeStruct((G, D), jnp.float32),
    ],
)


def kernel(x, edge_index, batch, W1_l, W1_r, b1, W2_l, W2_r, b2):
    src = edge_index[0]
    dst = edge_index[1]
    pad = EPAD - E
    src_pad = jnp.arange(pad, dtype=jnp.int32) % N
    dst_pad = DUMMY + jnp.arange(pad, dtype=jnp.int32) % (NPAD - N)
    src_p = jnp.concatenate([src, src_pad]).reshape(NS, NB, BATCH)
    src4 = jnp.stack([2 * src_p, 2 * src_p + 1])
    dst3 = jnp.concatenate([dst, dst_pad]).reshape(NS, NB, BATCH)
    z2 = jnp.zeros((CH, H), jnp.float32)
    z1 = jnp.zeros((CH,), jnp.float32)

    agg1, cnt = _sc_agg_cnt(x.reshape(2 * N, H), src4, dst3, z2, z1)
    cnt2 = cnt[:N].reshape(N, 1)
    h = _layer1(agg1, cnt2, x, W1_l, W1_r, b1.reshape(1, D))
    agg2 = _sc_agg_nocnt(h.reshape(2 * N, H), src4, dst3, z2)
    node_emb, graph_emb = _layer2(agg2, cnt2, h, W2_l, W2_r,
                                  b2.reshape(1, D), batch.reshape(N, 1))
    return node_emb, graph_emb

# --- scband reference (transcript-rebuilt; emitter-appended) ---
"""Pipeline reference for scband-gnnencoder-24146306138777 (READ-ONLY COPY).

The authoritative reference and input builder live on the scoring server;
editing this copy changes nothing except your own understanding.
"""

import jax, jax.numpy as jnp
import numpy as np

N_NODES = 10000
N_EDGES = 320000
D = 128
N_GRAPHS = 64


def setup_inputs(seed: int = 0) -> dict:
    key = jax.random.key(seed)
    ks = jax.random.split(key, 10)
    x = jax.random.normal(ks[0], (N_NODES, D), dtype=jnp.float32)
    edge_index = jax.random.randint(ks[1], (2, N_EDGES), 0, N_NODES, dtype=jnp.int32)
    batch = jnp.sort(jax.random.randint(ks[2], (N_NODES,), 0, N_GRAPHS, dtype=jnp.int32))
    s = 1.0 / np.sqrt(D)
    W1_l = jax.random.uniform(ks[3], (D, D), jnp.float32, -s, s)
    W1_r = jax.random.uniform(ks[4], (D, D), jnp.float32, -s, s)
    b1 = jnp.zeros((D,), jnp.float32)
    W2_l = jax.random.uniform(ks[5], (D, D), jnp.float32, -s, s)
    W2_r = jax.random.uniform(ks[6], (D, D), jnp.float32, -s, s)
    b2 = jnp.zeros((D,), jnp.float32)
    return {"x": x, "edge_index": edge_index, "batch": batch,
            "W1_l": W1_l, "W1_r": W1_r, "b1": b1,
            "W2_l": W2_l, "W2_r": W2_r, "b2": b2}


def _sage_conv(x, edge_index, W_l, W_r, b, num_nodes):
    # PyG SAGEConv (aggr='mean', root_weight=True):
    #   out = lin_l(mean_{j in N(i)} x_j) + lin_r(x_i)
    src = edge_index[0]
    dst = edge_index[1]
    msgs = x[src]                                   # gather (memory-bound)
    agg = jax.ops.segment_sum(msgs, dst, num_segments=num_nodes)  # scatter-add
    cnt = jax.ops.segment_sum(jnp.ones((edge_index.shape[1],), x.dtype), dst,
                              num_segments=num_nodes)
    mean = agg / jnp.clip(cnt, 1.0)[:, None]
    return mean @ W_l.T + x @ W_r.T + b


def reference(x, edge_index, batch, W1_l, W1_r, b1, W2_l, W2_r, b2):
    # layer 1 + LeakyReLU (dropout is identity in eval mode)
    h = _sage_conv(x, edge_index, W1_l, W1_r, b1, N_NODES)
    h = jax.nn.leaky_relu(h, negative_slope=0.01)
    # layer 2 -> node embeddings
    node_emb = _sage_conv(h, edge_index, W2_l, W2_r, b2, N_NODES)
    # global_add_pool -> graph embeddings
    graph_emb = jax.ops.segment_sum(node_emb, batch, num_segments=N_GRAPHS)
    return (node_emb, graph_emb)

if __name__ == "__main__":
    import jax
    _d = setup_inputs()
    print(jax.jit(kernel)(*tuple(_d.values())))

</pallas_src>

<mosaic_0001>
#map = affine_map<(d0, d1) -> (0, 0)>
#map1 = affine_map<(d0, d1) -> (0, 0, 0, 0)>
#map2 = affine_map<(d0, d1) -> (0, 0, 0)>
module attributes {stable_mosaic.version = 14 : i64} {
  func.func @body(%arg0: i32, %arg1: i32, %arg2: memref<20000x64xf32, #tpu.memory_space<hbm>>, %arg3: memref<2x16x160x128xi32, #tpu.memory_space<hbm>>, %arg4: memref<16x160x128xi32, #tpu.memory_space<hbm>>, %arg5: memref<640x64xf32, #tpu.memory_space<hbm>>, %arg6: memref<10240x128xf32, #tpu.memory_space<hbm>>, %arg7: memref<160x128xi32, #tpu.memory_space<vmem>>, %arg8: memref<160x128xi32, #tpu.memory_space<vmem>>, %arg9: memref<128x64xf32, #tpu.memory_space<vmem>>, %arg10: memref<128x64xf32, #tpu.memory_space<vmem>>, %arg11: memref<128x64xf32, #tpu.memory_space<vmem>>, %arg12: memref<128x64xf32, #tpu.memory_space<vmem>>, %arg13: memref<10240x64xf32, #tpu.memory_space<vmem_shared>>, %arg14: memref<!tpu.dma_semaphore, #tpu.memory_space<semaphore_mem>>, %arg15: memref<!tpu.dma_semaphore, #tpu.memory_space<semaphore_mem>>, %arg16: memref<!tpu.dma_semaphore, #tpu.memory_space<semaphore_mem>>, %arg17: memref<!tpu.dma_semaphore, #tpu.memory_space<semaphore_mem>>) attributes {dimension_semantics = [#tpu.dimension_semantics<core_parallel>, #tpu.dimension_semantics<subcore_parallel>], iteration_bounds = array<i64: 2, 16>, scalar_prefetch = 0 : i64, scratch_operands = 11 : i64, tpu.core_type = #tpu.core_type<sc_vector_subcore>, window_params = [{transform_indices = #map}, {transform_indices = #map1}, {transform_indices = #map2}, {transform_indices = #map}, {transform_indices = #map}]} {
    %mul3A = arith.constant 640 : i32
    %mul3A_0 = arith.muli %arg1, %mul3A : i32
    "tpu.region"() ({
      %run_scoped3A = tpu.sem_alloc : memref<!tpu.dma_semaphore, #tpu.memory_space<semaphore_mem>>
      %dma_start3A_32 = arith.constant 0 : i32
      %dma_start3A_33 = tpu.memref_slice %arg13[%mul3A_0, %dma_start3A_32] : memref<10240x64xf32, #tpu.memory_space<vmem_shared>> -> memref<640x64xf32, #tpu.memory_space<vmem_shared>>
      tpu.enqueue_dma source(%arg5 : memref<640x64xf32, #tpu.memory_space<hbm>>) target(%dma_start3A_33 : memref<640x64xf32, #tpu.memory_space<vmem_shared>>) target_semaphore(%run_scoped3A : memref<!tpu.dma_semaphore, #tpu.memory_space<semaphore_mem>>)
      %dma_wait3A = arith.constant 0 : i32
      %dma_wait3A_34 = tpu.memref_slice %arg13[%mul3A_0, %dma_wait3A] : memref<10240x64xf32, #tpu.memory_space<vmem_shared>> -> memref<640x64xf32, #tpu.memory_space<vmem_shared>>
      tpu.wait_dma2 semaphore(%run_scoped3A : memref<!tpu.dma_semaphore, #tpu.memory_space<semaphore_mem>>) src(%arg5 : memref<640x64xf32, #tpu.memory_space<hbm>>) dst(%dma_wait3A_34 : memref<640x64xf32, #tpu.memory_space<vmem_shared>>)
      tpu.yield
    }) : () -> ()
    "tpu.region"() ({
      %run_scoped3A = tpu.sem_alloc : memref<!tpu.dma_semaphore, #tpu.memory_space<semaphore_mem>>
      %dma_start3A_32 = arith.constant 0 : i32
      %dma_start3A_33 = arith.constant 0 : i32
      %dma_start3A_34 = tpu.memref_slice %arg3[%arg0, %arg1, %dma_start3A_32, %dma_start3A_33] : memref<2x16x160x128xi32, #tpu.memory_space<hbm>> -> memref<1x1x160x128xi32, #tpu.memory_space<hbm>>
      %dma_start3A_35 = tpu.memref_squeeze %dma_start3A_34 : memref<1x1x160x128xi32, #tpu.memory_space<hbm>> -> memref<160x128xi32, #tpu.memory_space<hbm>>
      %dma_start3A_36 = arith.constant 0 : i32
      %dma_start3A_37 = arith.constant 0 : i32
      %dma_start3A_38 = tpu.memref_slice %arg3[%arg0, %arg1, %dma_start3A_36, %dma_start3A_37] : memref<2x16x160x128xi32, #tpu.memory_space<hbm>> -> memref<1x1x160x128xi32, #tpu.memory_space<hbm>>
      %dma_start3A_39 = tpu.memref_squeeze %dma_start3A_38 : memref<1x1x160x128xi32, #tpu.memory_space<hbm>> -> memref<160x128xi32, #tpu.memory_space<hbm>>
      tpu.enqueue_dma source(%dma_start3A_39 : memref<160x128xi32, #tpu.memory_space<hbm>>) target(%arg7 : memref<160x128xi32, #tpu.memory_space<vmem>>) target_semaphore(%run_scoped3A : memref<!tpu.dma_semaphore, #tpu.memory_space<semaphore_mem>>)
      %dma_wait3A = arith.constant 0 : i32
      %dma_wait3A_40 = arith.constant 0 : i32
      %dma_wait3A_41 = tpu.memref_slice %arg3[%arg0, %arg1, %dma_wait3A, %dma_wait3A_40] : memref<2x16x160x128xi32, #tpu.memory_space<hbm>> -> memref<1x1x160x128xi32, #tpu.memory_space<hbm>>
      %dma_wait3A_42 = tpu.memref_squeeze %dma_wait3A_41 : memref<1x1x160x128xi32, #tpu.memory_space<hbm>> -> memref<160x128xi32, #tpu.memory_space<hbm>>
      %dma_wait3A_43 = arith.constant 0 : i32
      %dma_wait3A_44 = arith.constant 0 : i32
      %dma_wait3A_45 = tpu.memref_slice %arg3[%arg0, %arg1, %dma_wait3A_43, %dma_wait3A_44] : memref<2x16x160x128xi32, #tpu.memory_space<hbm>> -> memref<1x1x160x128xi32, #tpu.memory_space<hbm>>
      %dma_wait3A_46 = tpu.memref_squeeze %dma_wait3A_45 : memref<1x1x160x128xi32, #tpu.memory_space<hbm>> -> memref<160x128xi32, #tpu.memory_space<hbm>>
      tpu.wait_dma2 semaphore(%run_scoped3A : memref<!tpu.dma_semaphore, #tpu.memory_space<semaphore_mem>>) src(%dma_wait3A_46 : memref<160x128xi32, #tpu.memory_space<hbm>>) dst(%arg7 : memref<160x128xi32, #tpu.memory_space<vmem>>)
      tpu.yield
    }) : () -> ()
    "tpu.region"() ({
      %run_scoped3A = tpu.sem_alloc : memref<!tpu.dma_semaphore, #tpu.memory_space<semaphore_mem>>
      %dma_start3A_32 = arith.constant 0 : i32
      %dma_start3A_33 = arith.constant 0 : i32
      %dma_start3A_34 = tpu.memref_slice %arg4[%arg1, %dma_start3A_32, %dma_start3A_33] : memref<16x160x128xi32, #tpu.memory_space<hbm>> -> memref<1x160x128xi32, #tpu.memory_space<hbm>>
      %dma_start3A_35 = tpu.memref_squeeze %dma_start3A_34 : memref<1x160x128xi32, #tpu.memory_space<hbm>> -> memref<160x128xi32, #tpu.memory_space<hbm>>
      %dma_start3A_36 = arith.constant 0 : i32
      %dma_start3A_37 = arith.constant 0 : i32
      %dma_start3A_38 = tpu.memref_slice %arg4[%arg1, %dma_start3A_36, %dma_start3A_37] : memref<16x160x128xi32, #tpu.memory_space<hbm>> -> memref<1x160x128xi32, #tpu.memory_space<hbm>>
      %dma_start3A_39 = tpu.memref_squeeze %dma_start3A_38 : memref<1x160x128xi32, #tpu.memory_space<hbm>> -> memref<160x128xi32, #tpu.memory_space<hbm>>
      tpu.enqueue_dma source(%dma_start3A_39 : memref<160x128xi32, #tpu.memory_space<hbm>>) target(%arg8 : memref<160x128xi32, #tpu.memory_space<vmem>>) target_semaphore(%run_scoped3A : memref<!tpu.dma_semaphore, #tpu.memory_space<semaphore_mem>>)
      %dma_wait3A = arith.constant 0 : i32
      %dma_wait3A_40 = arith.constant 0 : i32
      %dma_wait3A_41 = tpu.memref_slice %arg4[%arg1, %dma_wait3A, %dma_wait3A_40] : memref<16x160x128xi32, #tpu.memory_space<hbm>> -> memref<1x160x128xi32, #tpu.memory_space<hbm>>
      %dma_wait3A_42 = tpu.memref_squeeze %dma_wait3A_41 : memref<1x160x128xi32, #tpu.memory_space<hbm>> -> memref<160x128xi32, #tpu.memory_space<hbm>>
      %dma_wait3A_43 = arith.constant 0 : i32
      %dma_wait3A_44 = arith.constant 0 : i32
      %dma_wait3A_45 = tpu.memref_slice %arg4[%arg1, %dma_wait3A_43, %dma_wait3A_44] : memref<16x160x128xi32, #tpu.memory_space<hbm>> -> memref<1x160x128xi32, #tpu.memory_space<hbm>>
      %dma_wait3A_46 = tpu.memref_squeeze %dma_wait3A_45 : memref<1x160x128xi32, #tpu.memory_space<hbm>> -> memref<160x128xi32, #tpu.memory_space<hbm>>
      tpu.wait_dma2 semaphore(%run_scoped3A : memref<!tpu.dma_semaphore, #tpu.memory_space<semaphore_mem>>) src(%dma_wait3A_46 : memref<160x128xi32, #tpu.memory_space<hbm>>) dst(%arg8 : memref<160x128xi32, #tpu.memory_space<vmem>>)
      tpu.yield
    }) : () -> ()
    %dma_start3A = arith.constant 0 : i32
    %dma_start3A_1 = arith.constant 0 : i32
    %dma_start3A_2 = tpu.memref_slice %arg7[%dma_start3A, %dma_start3A_1] : memref<160x128xi32, #tpu.memory_space<vmem>> -> memref<1x128xi32, #tpu.memory_space<vmem>>
    %dma_start3A_3 = tpu.memref_squeeze %dma_start3A_2 : memref<1x128xi32, #tpu.memory_space<vmem>> -> memref<128xi32, #tpu.memory_space<vmem>>
    %dma_start3A_4 = arith.constant 0 : i32
    %dma_start3A_5 = arith.constant 0 : i32
    %dma_start3A_6 = tpu.memref_slice %arg2[%dma_start3A_4, %dma_start3A_5] : memref<20000x64xf32, #tpu.memory_space<hbm>> -> memref<20000x64xf32, #tpu.memory_space<hbm>>
    tpu.enqueue_indirect_dma source(%dma_start3A_6 : memref<20000x64xf32, #tpu.memory_space<hbm>>) target(%arg9 : memref<128x64xf32, #tpu.memory_space<vmem>>) offsets(%dma_start3A_3 : memref<128xi32, #tpu.memory_space<vmem>>) semaphore(%arg14 : memref<!tpu.dma_semaphore, #tpu.memory_space<semaphore_mem>>)
    %dma_start3A_7 = arith.constant 1 : i32
    %dma_start3A_8 = arith.constant 0 : i32
    %dma_start3A_9 = tpu.memref_slice %arg7[%dma_start3A_7, %dma_start3A_8] : memref<160x128xi32, #tpu.memory_space<vmem>> -> memref<1x128xi32, #tpu.memory_space<vmem>>
    %dma_start3A_10 = tpu.memref_squeeze %dma_start3A_9 : memref<1x128xi32, #tpu.memory_space<vmem>> -> memref<128xi32, #tpu.memory_space<vmem>>
    %dma_start3A_11 = arith.constant 0 : i32
    %dma_start3A_12 = arith.constant 0 : i32
    %dma_start3A_13 = tpu.memref_slice %arg2[%dma_start3A_11, %dma_start3A_12] : memref<20000x64xf32, #tpu.memory_space<hbm>> -> memref<20000x64xf32, #tpu.memory_space<hbm>>
    tpu.enqueue_indirect_dma source(%dma_start3A_13 : memref<20000x64xf32, #tpu.memory_space<hbm>>) target(%arg10 : memref<128x64xf32, #tpu.memory_space<vmem>>) offsets(%dma_start3A_10 : memref<128xi32, #tpu.memory_space<vmem>>) semaphore(%arg15 : memref<!tpu.dma_semaphore, #tpu.memory_space<semaphore_mem>>)
    %dma_start3A_14 = arith.constant 2 : i32
    %dma_start3A_15 = arith.constant 0 : i32
    %dma_start3A_16 = tpu.memref_slice %arg7[%dma_start3A_14, %dma_start3A_15] : memref<160x128xi32, #tpu.memory_space<vmem>> -> memref<1x128xi32, #tpu.memory_space<vmem>>
    %dma_start3A_17 = tpu.memref_squeeze %dma_start3A_16 : memref<1x128xi32, #tpu.memory_space<vmem>> -> memref<128xi32, #tpu.memory_space<vmem>>
    %dma_start3A_18 = arith.constant 0 : i32
    %dma_start3A_19 = arith.constant 0 : i32
    %dma_start3A_20 = tpu.memref_slice %arg2[%dma_start3A_18, %dma_start3A_19] : memref<20000x64xf32, #tpu.memory_space<hbm>> -> memref<20000x64xf32, #tpu.memory_space<hbm>>
    tpu.enqueue_indirect_dma source(%dma_start3A_20 : memref<20000x64xf32, #tpu.memory_space<hbm>>) target(%arg11 : memref<128x64xf32, #tpu.memory_space<vmem>>) offsets(%dma_start3A_17 : memref<128xi32, #tpu.memory_space<vmem>>) semaphore(%arg16 : memref<!tpu.dma_semaphore, #tpu.memory_space<semaphore_mem>>)
    %barrier3A = arith.constant 0 : index
    tpu.barrier barrier_id(%barrier3A)
    %scan3A = arith.constant 0 : i32
    %scan3A_21 = arith.constant 40 : i32
    %scan3A_22 = arith.addi %scan3A, %scan3A_21 : i32
    %scan3A_23 = arith.constant 1 : i32
    scf.for %scan3A_32 = %scan3A to %scan3A_22 step %scan3A_23  : i32 {
      %mul3A_33 = arith.constant 4 : i32
      %mul3A_34 = arith.muli %scan3A_32, %mul3A_33 : i32
      %add3A = arith.constant 0 : i32
      %add3A_35 = arith.addi %add3A, %mul3A_34 : i32
      %add3A_36 = arith.constant 0 : i32
      %add3A_37 = arith.addi %add3A_35, %add3A_36 : i32
      %dma_wait3A = arith.constant 0 : i32
      %dma_wait3A_38 = tpu.memref_slice %arg7[%add3A_37, %dma_wait3A] : memref<160x128xi32, #tpu.memory_space<vmem>> -> memref<1x128xi32, #tpu.memory_space<vmem>>
      %dma_wait3A_39 = tpu.memref_squeeze %dma_wait3A_38 : memref<1x128xi32, #tpu.memory_space<vmem>> -> memref<128xi32, #tpu.memory_space<vmem>>
      %dma_wait3A_40 = arith.constant 0 : i32
      %dma_wait3A_41 = arith.constant 0 : i32
      %dma_wait3A_42 = tpu.memref_slice %arg2[%dma_wait3A_40, %dma_wait3A_41] : memref<20000x64xf32, #tpu.memory_space<hbm>> -> memref<20000x64xf32, #tpu.memory_space<hbm>>
      tpu.wait_indirect_dma semaphore(%arg14 : memref<!tpu.dma_semaphore, #tpu.memory_space<semaphore_mem>>) src(%dma_wait3A_42 : memref<20000x64xf32, #tpu.memory_space<hbm>>) dst(%arg9 : memref<128x64xf32, #tpu.memory_space<vmem>>)
      %add3A_43 = arith.constant 3 : i32
      %add3A_44 = arith.addi %add3A_37, %add3A_43 : i32
      %lt3A = arith.constant 160 : i32
      %lt3A_45 = arith.cmpi slt, %add3A_44, %lt3A : i32
      %convert_element_type3A = arith.extui %lt3A_45 : i1 to i32
      %cond3A = arith.constant 0 : i32
      %cond3A_46 = arith.cmpi ne, %convert_element_type3A, %cond3A : i32
      scf.if %cond3A_46 {
        %add3A_92 = arith.constant 3 : i32
        %add3A_93 = arith.addi %add3A_37, %add3A_92 : i32
        %dma_start3A_94 = arith.constant 0 : i32
        %dma_start3A_95 = tpu.memref_slice %arg7[%add3A_93, %dma_start3A_94] : memref<160x128xi32, #tpu.memory_space<vmem>> -> memref<1x128xi32, #tpu.memory_space<vmem>>
        %dma_start3A_96 = tpu.memref_squeeze %dma_start3A_95 : memref<1x128xi32, #tpu.memory_space<vmem>> -> memref<128xi32, #tpu.memory_space<vmem>>
        %dma_start3A_97 = arith.constant 0 : i32
        %dma_start3A_98 = arith.constant 0 : i32
        %dma_start3A_99 = tpu.memref_slice %arg2[%dma_start3A_97, %dma_start3A_98] : memref<20000x64xf32, #tpu.memory_space<hbm>> -> memref<20000x64xf32, #tpu.memory_space<hbm>>
        tpu.enqueue_indirect_dma source(%dma_start3A_99 : memref<20000x64xf32, #tpu.memory_space<hbm>>) target(%arg12 : memref<128x64xf32, #tpu.memory_space<vmem>>) offsets(%dma_start3A_96 : memref<128xi32, #tpu.memory_space<vmem>>) semaphore(%arg17 : memref<!tpu.dma_semaphore, #tpu.memory_space<semaphore_mem>>)
      } else {
      }
      "tpu.region"() ({
        %run_scoped3A = tpu.sem_alloc : memref<!tpu.dma_semaphore, #tpu.memory_space<semaphore_mem>>
        %dma_start3A_92 = arith.constant 0 : i32
        %dma_start3A_93 = tpu.memref_slice %arg8[%add3A_37, %dma_start3A_92] : memref<160x128xi32, #tpu.memory_space<vmem>> -> memref<1x128xi32, #tpu.memory_space<vmem>>
        %dma_start3A_94 = tpu.memref_squeeze %dma_start3A_93 : memref<1x128xi32, #tpu.memory_space<vmem>> -> memref<128xi32, #tpu.memory_space<vmem>>
        %dma_start3A_95 = arith.constant 0 : i32
        %dma_start3A_96 = arith.constant 0 : i32
        %dma_start3A_97 = tpu.memref_slice %arg13[%dma_start3A_95, %dma_start3A_96] : memref<10240x64xf32, #tpu.memory_space<vmem_shared>> -> memref<10240x64xf32, #tpu.memory_space<vmem_shared>>
        tpu.enqueue_indirect_dma source(%arg9 : memref<128x64xf32, #tpu.memory_space<vmem>>) target(%dma_start3A_97 : memref<10240x64xf32, #tpu.memory_space<vmem_shared>>) offsets(%dma_start3A_94 : memref<128xi32, #tpu.memory_space<vmem>>) semaphore(%run_scoped3A : memref<!tpu.dma_semaphore, #tpu.memory_space<semaphore_mem>>) {add = true}
        %dma_wait3A_98 = arith.constant 0 : i32
        %dma_wait3A_99 = tpu.memref_slice %arg8[%add3A_37, %dma_wait3A_98] : memref<160x128xi32, #tpu.memory_space<vmem>> -> memref<1x128xi32, #tpu.memory_space<vmem>>
        %dma_wait3A_100 = tpu.memref_squeeze %dma_wait3A_99 : memref<1x128xi32, #tpu.memory_space<vmem>> -> memref<128xi32, #tpu.memory_space<vmem>>
        %dma_wait3A_101 = arith.constant 0 : i32
        %dma_wait3A_102 = arith.constant 0 : i32
        %dma_wait3A_103 = tpu.memref_slice %arg13[%dma_wait3A_101, %dma_wait3A_102] : memref<10240x64xf32, #tpu.memory_space<vmem_shared>> -> memref<10240x64xf32, #tpu.memory_space<vmem_shared>>
        tpu.wait_indirect_dma semaphore(%run_scoped3A : memref<!tpu.dma_semaphore, #tpu.memory_space<semaphore_mem>>) src(%arg9 : memref<128x64xf32, #tpu.memory_space<vmem>>) dst(%dma_wait3A_103 : memref<10240x64xf32, #tpu.memory_space<vmem_shared>>)
        tpu.yield
      }) : () -> ()
      %add3A_47 = arith.constant 1 : i32
      %add3A_48 = arith.addi %add3A_35, %add3A_47 : i32
      %dma_wait3A_49 = arith.constant 0 : i32
      %dma_wait3A_50 = tpu.memref_slice %arg7[%add3A_48, %dma_wait3A_49] : memref<160x128xi32, #tpu.memory_space<vmem>> -> memref<1x128xi32, #tpu.memory_space<vmem>>
      %dma_wait3A_51 = tpu.memref_squeeze %dma_wait3A_50 : memref<1x128xi32, #tpu.memory_space<vmem>> -> memref<128xi32, #tpu.memory_space<vmem>>
      %dma_wait3A_52 = arith.constant 0 : i32
      %dma_wait3A_53 = arith.constant 0 : i32
      %dma_wait3A_54 = tpu.memref_slice %arg2[%dma_wait3A_52, %dma_wait3A_53] : memref<20000x64xf32, #tpu.memory_space<hbm>> -> memref<20000x64xf32, #tpu.memory_space<hbm>>
      tpu.wait_indirect_dma semaphore(%arg15 : memref<!tpu.dma_semaphore, #tpu.memory_space<semaphore_mem>>) src(%dma_wait3A_54 : memref<20000x64xf32, #tpu.memory_space<hbm>>) dst(%arg10 : memref<128x64xf32, #tpu.memory_space<vmem>>)
      %add3A_55 = arith.constant 3 : i32
      %add3A_56 = arith.addi %add3A_48, %add3A_55 : i32
      %lt3A_57 = arith.constant 160 : i32
      %lt3A_58 = arith.cmpi slt, %add3A_56, %lt3A_57 : i32
      %convert_element_type3A_59 = arith.extui %lt3A_58 : i1 to i32
      %cond3A_60 = arith.constant 0 : i32
      %cond3A_61 = arith.cmpi ne, %convert_element_type3A_59, %cond3A_60 : i32
      scf.if %cond3A_61 {
        %add3A_92 = arith.constant 3 : i32
        %add3A_93 = arith.addi %add3A_48, %add3A_92 : i32
        %dma_start3A_94 = arith.constant 0 : i32
        %dma_start3A_95 = tpu.memref_slice %arg7[%add3A_93, %dma_start3A_94] : memref<160x128xi32, #tpu.memory_space<vmem>> -> memref<1x128xi32, #tpu.memory_space<vmem>>
        %dma_start3A_96 = tpu.memref_squeeze %dma_start3A_95 : memref<1x128xi32, #tpu.memory_space<vmem>> -> memref<128xi32, #tpu.memory_space<vmem>>
        %dma_start3A_97 = arith.constant 0 : i32
        %dma_start3A_98 = arith.constant 0 : i32
        %dma_start3A_99 = tpu.memref_slice %arg2[%dma_start3A_97, %dma_start3A_98] : memref<20000x64xf32, #tpu.memory_space<hbm>> -> memref<20000x64xf32, #tpu.memory_space<hbm>>
        tpu.enqueue_indirect_dma source(%dma_start3A_99 : memref<20000x64xf32, #tpu.memory_space<hbm>>) target(%arg9 : memref<128x64xf32, #tpu.memory_space<vmem>>) offsets(%dma_start3A_96 : memref<128xi32, #tpu.memory_space<vmem>>) semaphore(%arg14 : memref<!tpu.dma_semaphore, #tpu.memory_space<semaphore_mem>>)
      } else {
      }
      "tpu.region"() ({
        %run_scoped3A = tpu.sem_alloc : memref<!tpu.dma_semaphore, #tpu.memory_space<semaphore_mem>>
        %dma_start3A_92 = arith.constant 0 : i32
        %dma_start3A_93 = tpu.memref_slice %arg8[%add3A_48, %dma_start3A_92] : memref<160x128xi32, #tpu.memory_space<vmem>> -> memref<1x128xi32, #tpu.memory_space<vmem>>
        %dma_start3A_94 = tpu.memref_squeeze %dma_start3A_93 : memref<1x128xi32, #tpu.memory_space<vmem>> -> memref<128xi32, #tpu.memory_space<vmem>>
        %dma_start3A_95 = arith.constant 0 : i32
        %dma_start3A_96 = arith.constant 0 : i32
        %dma_start3A_97 = tpu.memref_slice %arg13[%dma_start3A_95, %dma_start3A_96] : memref<10240x64xf32, #tpu.memory_space<vmem_shared>> -> memref<10240x64xf32, #tpu.memory_space<vmem_shared>>
        tpu.enqueue_indirect_dma source(%arg10 : memref<128x64xf32, #tpu.memory_space<vmem>>) target(%dma_start3A_97 : memref<10240x64xf32, #tpu.memory_space<vmem_shared>>) offsets(%dma_start3A_94 : memref<128xi32, #tpu.memory_space<vmem>>) semaphore(%run_scoped3A : memref<!tpu.dma_semaphore, #tpu.memory_space<semaphore_mem>>) {add = true}
        %dma_wait3A_98 = arith.constant 0 : i32
        %dma_wait3A_99 = tpu.memref_slice %arg8[%add3A_48, %dma_wait3A_98] : memref<160x128xi32, #tpu.memory_space<vmem>> -> memref<1x128xi32, #tpu.memory_space<vmem>>
        %dma_wait3A_100 = tpu.memref_squeeze %dma_wait3A_99 : memref<1x128xi32, #tpu.memory_space<vmem>> -> memref<128xi32, #tpu.memory_space<vmem>>
        %dma_wait3A_101 = arith.constant 0 : i32
        %dma_wait3A_102 = arith.constant 0 : i32
        %dma_wait3A_103 = tpu.memref_slice %arg13[%dma_wait3A_101, %dma_wait3A_102] : memref<10240x64xf32, #tpu.memory_space<vmem_shared>> -> memref<10240x64xf32, #tpu.memory_space<vmem_shared>>
        tpu.wait_indirect_dma semaphore(%run_scoped3A : memref<!tpu.dma_semaphore, #tpu.memory_space<semaphore_mem>>) src(%arg10 : memref<128x64xf32, #tpu.memory_space<vmem>>) dst(%dma_wait3A_103 : memref<10240x64xf32, #tpu.memory_space<vmem_shared>>)
        tpu.yield
      }) : () -> ()
      %add3A_62 = arith.constant 2 : i32
      %add3A_63 = arith.addi %add3A_35, %add3A_62 : i32
      %dma_wait3A_64 = arith.constant 0 : i32
      %dma_wait3A_65 = tpu.memref_slice %arg7[%add3A_63, %dma_wait3A_64] : memref<160x128xi32, #tpu.memory_space<vmem>> -> memref<1x128xi32, #tpu.memory_space<vmem>>
      %dma_wait3A_66 = tpu.memref_squeeze %dma_wait3A_65 : memref<1x128xi32, #tpu.memory_space<vmem>> -> memref<128xi32, #tpu.memory_space<vmem>>
      %dma_wait3A_67 = arith.constant 0 : i32
      %dma_wait3A_68 = arith.constant 0 : i32
      %dma_wait3A_69 = tpu.memref_slice %arg2[%dma_wait3A_67, %dma_wait3A_68] : memref<20000x64xf32, #tpu.memory_space<hbm>> -> memref<20000x64xf32, #tpu.memory_space<hbm>>
      tpu.wait_indirect_dma semaphore(%arg16 : memref<!tpu.dma_semaphore, #tpu.memory_space<semaphore_mem>>) src(%dma_wait3A_69 : memref<20000x64xf32, #tpu.memory_space<hbm>>) dst(%arg11 : memref<128x64xf32, #tpu.memory_space<vmem>>)
      %add3A_70 = arith.constant 3 : i32
      %add3A_71 = arith.addi %add3A_63, %add3A_70 : i32
      %lt3A_72 = arith.constant 160 : i32
      %lt3A_73 = arith.cmpi slt, %add3A_71, %lt3A_72 : i32
      %convert_element_type3A_74 = arith.extui %lt3A_73 : i1 to i32
      %cond3A_75 = arith.constant 0 : i32
      %cond3A_76 = arith.cmpi ne, %convert_element_type3A_74, %cond3A_75 : i32
      scf.if %cond3A_76 {
        %add3A_92 = arith.constant 3 : i32
        %add3A_93 = arith.addi %add3A_63, %add3A_92 : i32
        %dma_start3A_94 = arith.constant 0 : i32
        %dma_start3A_95 = tpu.memref_slice %arg7[%add3A_93, %dma_start3A_94] : memref<160x128xi32, #tpu.memory_space<vmem>> -> memref<1x128xi32, #tpu.memory_space<vmem>>
        %dma_start3A_96 = tpu.memref_squeeze %dma_start3A_95 : memref<1x128xi32, #tpu.memory_space<vmem>> -> memref<128xi32, #tpu.memory_space<vmem>>
        %dma_start3A_97 = arith.constant 0 : i32
        %dma_start3A_98 = arith.constant 0 : i32
        %dma_start3A_99 = tpu.memref_slice %arg2[%dma_start3A_97, %dma_start3A_98] : memref<20000x64xf32, #tpu.memory_space<hbm>> -> memref<20000x64xf32, #tpu.memory_space<hbm>>
        tpu.enqueue_indirect_dma source(%dma_start3A_99 : memref<20000x64xf32, #tpu.memory_space<hbm>>) target(%arg10 : memref<128x64xf32, #tpu.memory_space<vmem>>) offsets(%dma_start3A_96 : memref<128xi32, #tpu.memory_space<vmem>>) semaphore(%arg15 : memref<!tpu.dma_semaphore, #tpu.memory_space<semaphore_mem>>)
      } else {
      }
      "tpu.region"() ({
        %run_scoped3A = tpu.sem_alloc : memref<!tpu.dma_semaphore, #tpu.memory_space<semaphore_mem>>
        %dma_start3A_92 = arith.constant 0 : i32
        %dma_start3A_93 = tpu.memref_slice %arg8[%add3A_63, %dma_start3A_92] : memref<160x128xi32, #tpu.memory_space<vmem>> -> memref<1x128xi32, #tpu.memory_space<vmem>>
        %dma_start3A_94 = tpu.memref_squeeze %dma_start3A_93 : memref<1x128xi32, #tpu.memory_space<vmem>> -> memref<128xi32, #tpu.memory_space<vmem>>
        %dma_start3A_95 = arith.constant 0 : i32
        %dma_start3A_96 = arith.constant 0 : i32
        %dma_start3A_97 = tpu.memref_slice %arg13[%dma_start3A_95, %dma_start3A_96] : memref<10240x64xf32, #tpu.memory_space<vmem_shared>> -> memref<10240x64xf32, #tpu.memory_space<vmem_shared>>
        tpu.enqueue_indirect_dma source(%arg11 : memref<128x64xf32, #tpu.memory_space<vmem>>) target(%dma_start3A_97 : memref<10240x64xf32, #tpu.memory_space<vmem_shared>>) offsets(%dma_start3A_94 : memref<128xi32, #tpu.memory_space<vmem>>) semaphore(%run_scoped3A : memref<!tpu.dma_semaphore, #tpu.memory_space<semaphore_mem>>) {add = true}
        %dma_wait3A_98 = arith.constant 0 : i32
        %dma_wait3A_99 = tpu.memref_slice %arg8[%add3A_63, %dma_wait3A_98] : memref<160x128xi32, #tpu.memory_space<vmem>> -> memref<1x128xi32, #tpu.memory_space<vmem>>
        %dma_wait3A_100 = tpu.memref_squeeze %dma_wait3A_99 : memref<1x128xi32, #tpu.memory_space<vmem>> -> memref<128xi32, #tpu.memory_space<vmem>>
        %dma_wait3A_101 = arith.constant 0 : i32
        %dma_wait3A_102 = arith.constant 0 : i32
        %dma_wait3A_103 = tpu.memref_slice %arg13[%dma_wait3A_101, %dma_wait3A_102] : memref<10240x64xf32, #tpu.memory_space<vmem_shared>> -> memref<10240x64xf32, #tpu.memory_space<vmem_shared>>
        tpu.wait_indirect_dma semaphore(%run_scoped3A : memref<!tpu.dma_semaphore, #tpu.memory_space<semaphore_mem>>) src(%arg11 : memref<128x64xf32, #tpu.memory_space<vmem>>) dst(%dma_wait3A_103 : memref<10240x64xf32, #tpu.memory_space<vmem_shared>>)
        tpu.yield
      }) : () -> ()
      %add3A_77 = arith.constant 3 : i32
      %add3A_78 = arith.addi %add3A_35, %add3A_77 : i32
      %dma_wait3A_79 = arith.constant 0 : i32
      %dma_wait3A_80 = tpu.memref_slice %arg7[%add3A_78, %dma_wait3A_79] : memref<160x128xi32, #tpu.memory_space<vmem>> -> memref<1x128xi32, #tpu.memory_space<vmem>>
      %dma_wait3A_81 = tpu.memref_squeeze %dma_wait3A_80 : memref<1x128xi32, #tpu.memory_space<vmem>> -> memref<128xi32, #tpu.memory_space<vmem>>
      %dma_wait3A_82 = arith.constant 0 : i32
      %dma_wait3A_83 = arith.constant 0 : i32
      %dma_wait3A_84 = tpu.memref_slice %arg2[%dma_wait3A_82, %dma_wait3A_83] : memref<20000x64xf32, #tpu.memory_space<hbm>> -> memref<20000x64xf32, #tpu.memory_space<hbm>>
      tpu.wait_indirect_dma semaphore(%arg17 : memref<!tpu.dma_semaphore, #tpu.memory_space<semaphore_mem>>) src(%dma_wait3A_84 : memref<20000x64xf32, #tpu.memory_space<hbm>>) dst(%arg12 : memref<128x64xf32, #tpu.memory_space<vmem>>)
      %add3A_85 = arith.constant 3 : i32
      %add3A_86 = arith.addi %add3A_78, %add3A_85 : i32
      %lt3A_87 = arith.constant 160 : i32
      %lt3A_88 = arith.cmpi slt, %add3A_86, %lt3A_87 : i32
      %convert_element_type3A_89 = arith.extui %lt3A_88 : i1 to i32
      %cond3A_90 = arith.constant 0 : i32
      %cond3A_91 = arith.cmpi ne, %convert_element_type3A_89, %cond3A_90 : i32
      scf.if %cond3A_91 {
        %add3A_92 = arith.constant 3 : i32
        %add3A_93 = arith.addi %add3A_78, %add3A_92 : i32
        %dma_start3A_94 = arith.constant 0 : i32
        %dma_start3A_95 = tpu.memref_slice %arg7[%add3A_93, %dma_start3A_94] : memref<160x128xi32, #tpu.memory_space<vmem>> -> memref<1x128xi32, #tpu.memory_space<vmem>>
        %dma_start3A_96 = tpu.memref_squeeze %dma_start3A_95 : memref<1x128xi32, #tpu.memory_space<vmem>> -> memref<128xi32, #tpu.memory_space<vmem>>
        %dma_start3A_97 = arith.constant 0 : i32
        %dma_start3A_98 = arith.constant 0 : i32
        %dma_start3A_99 = tpu.memref_slice %arg2[%dma_start3A_97, %dma_start3A_98] : memref<20000x64xf32, #tpu.memory_space<hbm>> -> memref<20000x64xf32, #tpu.memory_space<hbm>>
        tpu.enqueue_indirect_dma source(%dma_start3A_99 : memref<20000x64xf32, #tpu.memory_space<hbm>>) target(%arg11 : memref<128x64xf32, #tpu.memory_space<vmem>>) offsets(%dma_start3A_96 : memref<128xi32, #tpu.memory_space<vmem>>) semaphore(%arg16 : memref<!tpu.dma_semaphore, #tpu.memory_space<semaphore_mem>>)
      } else {
      }
      "tpu.region"() ({
        %run_scoped3A = tpu.sem_alloc : memref<!tpu.dma_semaphore, #tpu.memory_space<semaphore_mem>>
        %dma_start3A_92 = arith.constant 0 : i32
        %dma_start3A_93 = tpu.memref_slice %arg8[%add3A_78, %dma_start3A_92] : memref<160x128xi32, #tpu.memory_space<vmem>> -> memref<1x128xi32, #tpu.memory_space<vmem>>
        %dma_start3A_94 = tpu.memref_squeeze %dma_start3A_93 : memref<1x128xi32, #tpu.memory_space<vmem>> -> memref<128xi32, #tpu.memory_space<vmem>>
        %dma_start3A_95 = arith.constant 0 : i32
        %dma_start3A_96 = arith.constant 0 : i32
        %dma_start3A_97 = tpu.memref_slice %arg13[%dma_start3A_95, %dma_start3A_96] : memref<10240x64xf32, #tpu.memory_space<vmem_shared>> -> memref<10240x64xf32, #tpu.memory_space<vmem_shared>>
        tpu.enqueue_indirect_dma source(%arg12 : memref<128x64xf32, #tpu.memory_space<vmem>>) target(%dma_start3A_97 : memref<10240x64xf32, #tpu.memory_space<vmem_shared>>) offsets(%dma_start3A_94 : memref<128xi32, #tpu.memory_space<vmem>>) semaphore(%run_scoped3A : memref<!tpu.dma_semaphore, #tpu.memory_space<semaphore_mem>>) {add = true}
        %dma_wait3A_98 = arith.constant 0 : i32
        %dma_wait3A_99 = tpu.memref_slice %arg8[%add3A_78, %dma_wait3A_98] : memref<160x128xi32, #tpu.memory_space<vmem>> -> memref<1x128xi32, #tpu.memory_space<vmem>>
        %dma_wait3A_100 = tpu.memref_squeeze %dma_wait3A_99 : memref<1x128xi32, #tpu.memory_space<vmem>> -> memref<128xi32, #tpu.memory_space<vmem>>
        %dma_wait3A_101 = arith.constant 0 : i32
        %dma_wait3A_102 = arith.constant 0 : i32
        %dma_wait3A_103 = tpu.memref_slice %arg13[%dma_wait3A_101, %dma_wait3A_102] : memref<10240x64xf32, #tpu.memory_space<vmem_shared>> -> memref<10240x64xf32, #tpu.memory_space<vmem_shared>>
        tpu.wait_indirect_dma semaphore(%run_scoped3A : memref<!tpu.dma_semaphore, #tpu.memory_space<semaphore_mem>>) src(%arg12 : memref<128x64xf32, #tpu.memory_space<vmem>>) dst(%dma_wait3A_103 : memref<10240x64xf32, #tpu.memory_space<vmem_shared>>)
        tpu.yield
      }) : () -> ()
    }
    %scan3A_24 = arith.constant 40 : i32
    %barrier3A_25 = arith.constant 0 : index
    tpu.barrier barrier_id(%barrier3A_25)
    %mul3A_26 = arith.constant 640 : i32
    %mul3A_27 = arith.muli %arg1, %mul3A_26 : i32
    %mul3A_28 = arith.constant 640 : i32
    %mul3A_29 = arith.muli %arg1, %mul3A_28 : i32
    %mul3A_30 = arith.constant 64 : i32
    %mul3A_31 = arith.muli %arg0, %mul3A_30 : i32
    "tpu.region"() ({
      %run_scoped3A = tpu.sem_alloc : memref<!tpu.dma_semaphore, #tpu.memory_space<semaphore_mem>>
      %dma_start3A_32 = tpu.memref_slice %arg6[%mul3A_29, %mul3A_31] : memref<10240x128xf32, #tpu.memory_space<hbm>> -> memref<640x64xf32, #tpu.memory_space<hbm>>
      %dma_start3A_33 = arith.constant 0 : i32
      %dma_start3A_34 = tpu.memref_slice %arg13[%mul3A_27, %dma_start3A_33] : memref<10240x64xf32, #tpu.memory_space<vmem_shared>> -> memref<640x64xf32, #tpu.memory_space<vmem_shared>>
      tpu.enqueue_dma source(%dma_start3A_34 : memref<640x64xf32, #tpu.memory_space<vmem_shared>>) target(%dma_start3A_32 : memref<640x64xf32, #tpu.memory_space<hbm>>) target_semaphore(%run_scoped3A : memref<!tpu.dma_semaphore, #tpu.memory_space<semaphore_mem>>)
      %dma_wait3A = tpu.memref_slice %arg6[%mul3A_29, %mul3A_31] : memref<10240x128xf32, #tpu.memory_space<hbm>> -> memref<640x64xf32, #tpu.memory_space<hbm>>
      %dma_wait3A_35 = arith.constant 0 : i32
      %dma_wait3A_36 = tpu.memref_slice %arg13[%mul3A_27, %dma_wait3A_35] : memref<10240x64xf32, #tpu.memory_space<vmem_shared>> -> memref<640x64xf32, #tpu.memory_space<vmem_shared>>
      tpu.wait_dma2 semaphore(%run_scoped3A : memref<!tpu.dma_semaphore, #tpu.memory_space<semaphore_mem>>) src(%dma_wait3A_36 : memref<640x64xf32, #tpu.memory_space<vmem_shared>>) dst(%dma_wait3A : memref<640x64xf32, #tpu.memory_space<hbm>>)
      tpu.yield
    }) : () -> ()
    return
  }
}

#map = affine_map<(d0, d1) -> (0, 0)>
#map1 = affine_map<(d0, d1) -> (0, 0, 0, 0)>
#map2 = affine_map<(d0, d1) -> (0, 0, 0)>
#map3 = affine_map<(d0, d1) -> (0)>
module attributes {stable_mosaic.version = 14 : i64} {
  func.func @body(%arg0: i32, %arg1: i32, %arg2: memref<20000x64xf32, #tpu.memory_space<hbm>>, %arg3: memref<2x16x160x128xi32, #tpu.memory_space<hbm>>, %arg4: memref<16x160x128xi32, #tpu.memory_space<hbm>>, %arg5: memref<640x64xf32, #tpu.memory_space<hbm>>, %arg6: memref<640xf32, #tpu.memory_space<hbm>>, %arg7: memref<10240x128xf32, #tpu.memory_space<hbm>>, %arg8: memref<10240xf32, #tpu.memory_space<hbm>>, %arg9: memref<160x128xi32, #tpu.memory_space<vmem>>, %arg10: memref<160x128xi32, #tpu.memory_space<vmem>>, %arg11: memref<128x64xf32, #tpu.memory_space<vmem>>, %arg12: memref<128x64xf32, #tpu.memory_space<vmem>>, %arg13: memref<128x64xf32, #tpu.memory_space<vmem>>, %arg14: memref<128x64xf32, #tpu.memory_space<vmem>>, %arg15: memref<128xf32, #tpu.memory_space<vmem>>, %arg16: memref<10240x64xf32, #tpu.memory_space<vmem_shared>>, %arg17: memref<10240xf32, #tpu.memory_space<vmem_shared>>, %arg18: memref<!tpu.dma_semaphore, #tpu.memory_space<semaphore_mem>>, %arg19: memref<!tpu.dma_semaphore, #tpu.memory_space<semaphore_mem>>, %arg20: memref<!tpu.dma_semaphore, #tpu.memory_space<semaphore_mem>>, %arg21: memref<!tpu.dma_semaphore, #tpu.memory_space<semaphore_mem>>) attributes {dimension_semantics = [#tpu.dimension_semantics<core_parallel>, #tpu.dimension_semantics<subcore_parallel>], iteration_bounds = array<i64: 2, 16>, scalar_prefetch = 0 : i64, scratch_operands = 13 : i64, tpu.core_type = #tpu.core_type<sc_vector_subcore>, window_params = [{transform_indices = #map}, {transform_indices = #map1}, {transform_indices = #map2}, {transform_indices = #map}, {transform_indices = #map3}, {transform_indices = #map}, {transform_indices = #map3}]} {
    %mul3A = arith.constant 640 : i32
    %mul3A_0 = arith.muli %arg1, %mul3A : i32
    "tpu.region"() ({
      %run_scoped3A = tpu.sem_alloc : memref<!tpu.dma_semaphore, #tpu.memory_space<semaphore_mem>>
      %dma_start3A_85 = arith.constant 0 : i32
      %dma_start3A_86 = tpu.memref_slice %arg16[%mul3A_0, %dma_start3A_85] : memref<10240x64xf32, #tpu.memory_space<vmem_shared>> -> memref<640x64xf32, #tpu.memory_space<vmem_shared>>
      tpu.enqueue_dma source(%arg5 : memref<640x64xf32, #tpu.memory_space<hbm>>) target(%dma_start3A_86 : memref<640x64xf32, #tpu.memory_space<vmem_shared>>) target_semaphore(%run_scoped3A : memref<!tpu.dma_semaphore, #tpu.memory_space<semaphore_mem>>)
      %dma_wait3A = arith.constant 0 : i32
      %dma_wait3A_87 = tpu.memref_slice %arg16[%mul3A_0, %dma_wait3A] : memref<10240x64xf32, #tpu.memory_space<vmem_shared>> -> memref<640x64xf32, #tpu.memory_space<vmem_shared>>
      tpu.wait_dma2 semaphore(%run_scoped3A : memref<!tpu.dma_semaphore, #tpu.memory_space<semaphore_mem>>) src(%arg5 : memref<640x64xf32, #tpu.memory_space<hbm>>) dst(%dma_wait3A_87 : memref<640x64xf32, #tpu.memory_space<vmem_shared>>)
      tpu.yield
    }) : () -> ()
    "tpu.region"() ({
      %run_scoped3A = tpu.sem_alloc : memref<!tpu.dma_semaphore, #tpu.memory_space<semaphore_mem>>
      %dma_start3A_85 = arith.constant 0 : i32
      %dma_start3A_86 = arith.constant 0 : i32
      %dma_start3A_87 = tpu.memref_slice %arg3[%arg0, %arg1, %dma_start3A_85, %dma_start3A_86] : memref<2x16x160x128xi32, #tpu.memory_space<hbm>> -> memref<1x1x160x128xi32, #tpu.memory_space<hbm>>
      %dma_start3A_88 = tpu.memref_squeeze %dma_start3A_87 : memref<1x1x160x128xi32, #tpu.memory_space<hbm>> -> memref<160x128xi32, #tpu.memory_space<hbm>>
      %dma_start3A_89 = arith.constant 0 : i32
      %dma_start3A_90 = arith.constant 0 : i32
      %dma_start3A_91 = tpu.memref_slice %arg3[%arg0, %arg1, %dma_start3A_89, %dma_start3A_90] : memref<2x16x160x128xi32, #tpu.memory_space<hbm>> -> memref<1x1x160x128xi32, #tpu.memory_space<hbm>>
      %dma_start3A_92 = tpu.memref_squeeze %dma_start3A_91 : memref<1x1x160x128xi32, #tpu.memory_space<hbm>> -> memref<160x128xi32, #tpu.memory_space<hbm>>
      tpu.enqueue_dma source(%dma_start3A_92 : memref<160x128xi32, #tpu.memory_space<hbm>>) target(%arg9 : memref<160x128xi32, #tpu.memory_space<vmem>>) target_semaphore(%run_scoped3A : memref<!tpu.dma_semaphore, #tpu.memory_space<semaphore_mem>>)
      %dma_wait3A = arith.constant 0 : i32
      %dma_wait3A_93 = arith.constant 0 : i32
      %dma_wait3A_94 = tpu.memref_slice %arg3[%arg0, %arg1, %dma_wait3A, %dma_wait3A_93] : memref<2x16x160x128xi32, #tpu.memory_space<hbm>> -> memref<1x1x160x128xi32, #tpu.memory_space<hbm>>
      %dma_wait3A_95 = tpu.memref_squeeze %dma_wait3A_94 : memref<1x1x160x128xi32, #tpu.memory_space<hbm>> -> memref<160x128xi32, #tpu.memory_space<hbm>>
      %dma_wait3A_96 = arith.constant 0 : i32
      %dma_wait3A_97 = arith.constant 0 : i32
      %dma_wait3A_98 = tpu.memref_slice %arg3[%arg0, %arg1, %dma_wait3A_96, %dma_wait3A_97] : memref<2x16x160x128xi32, #tpu.memory_space<hbm>> -> memref<1x1x160x128xi32, #tpu.memory_space<hbm>>
      %dma_wait3A_99 = tpu.memref_squeeze %dma_wait3A_98 : memref<1x1x160x128xi32, #tpu.memory_space<hbm>> -> memref<160x128xi32, #tpu.memory_space<hbm>>
      tpu.wait_dma2 semaphore(%run_scoped3A : memref<!tpu.dma_semaphore, #tpu.memory_space<semaphore_mem>>) src(%dma_wait3A_99 : memref<160x128xi32, #tpu.memory_space<hbm>>) dst(%arg9 : memref<160x128xi32, #tpu.memory_space<vmem>>)
      tpu.yield
    }) : () -> ()
    "tpu.region"() ({
      %run_scoped3A = tpu.sem_alloc : memref<!tpu.dma_semaphore, #tpu.memory_space<semaphore_mem>>
      %dma_start3A_85 = arith.constant 0 : i32
      %dma_start3A_86 = arith.constant 0 : i32
      %dma_start3A_87 = tpu.memref_slice %arg4[%arg1, %dma_start3A_85, %dma_start3A_86] : memref<16x160x128xi32, #tpu.memory_space<hbm>> -> memref<1x160x128xi32, #tpu.memory_space<hbm>>
      %dma_start3A_88 = tpu.memref_squeeze %dma_start3A_87 : memref<1x160x128xi32, #tpu.memory_space<hbm>> -> memref<160x128xi32, #tpu.memory_space<hbm>>
      %dma_start3A_89 = arith.constant 0 : i32
      %dma_start3A_90 = arith.constant 0 : i32
      %dma_start3A_91 = tpu.memref_slice %arg4[%arg1, %dma_start3A_89, %dma_start3A_90] : memref<16x160x128xi32, #tpu.memory_space<hbm>> -> memref<1x160x128xi32, #tpu.memory_space<hbm>>
      %dma_start3A_92 = tpu.memref_squeeze %dma_start3A_91 : memref<1x160x128xi32, #tpu.memory_space<hbm>> -> memref<160x128xi32, #tpu.memory_space<hbm>>
      tpu.enqueue_dma source(%dma_start3A_92 : memref<160x128xi32, #tpu.memory_space<hbm>>) target(%arg10 : memref<160x128xi32, #tpu.memory_space<vmem>>) target_semaphore(%run_scoped3A : memref<!tpu.dma_semaphore, #tpu.memory_space<semaphore_mem>>)
      %dma_wait3A = arith.constant 0 : i32
      %dma_wait3A_93 = arith.constant 0 : i32
      %dma_wait3A_94 = tpu.memref_slice %arg4[%arg1, %dma_wait3A, %dma_wait3A_93] : memref<16x160x128xi32, #tpu.memory_space<hbm>> -> memref<1x160x128xi32, #tpu.memory_space<hbm>>
      %dma_wait3A_95 = tpu.memref_squeeze %dma_wait3A_94 : memref<1x160x128xi32, #tpu.memory_space<hbm>> -> memref<160x128xi32, #tpu.memory_space<hbm>>
      %dma_wait3A_96 = arith.constant 0 : i32
      %dma_wait3A_97 = arith.constant 0 : i32
      %dma_wait3A_98 = tpu.memref_slice %arg4[%arg1, %dma_wait3A_96, %dma_wait3A_97] : memref<16x160x128xi32, #tpu.memory_space<hbm>> -> memref<1x160x128xi32, #tpu.memory_space<hbm>>
      %dma_wait3A_99 = tpu.memref_squeeze %dma_wait3A_98 : memref<1x160x128xi32, #tpu.memory_space<hbm>> -> memref<160x128xi32, #tpu.memory_space<hbm>>
      tpu.wait_dma2 semaphore(%run_scoped3A : memref<!tpu.dma_semaphore, #tpu.memory_space<semaphore_mem>>) src(%dma_wait3A_99 : memref<160x128xi32, #tpu.memory_space<hbm>>) dst(%arg10 : memref<160x128xi32, #tpu.memory_space<vmem>>)
      tpu.yield
    }) : () -> ()
    %eq3A = arith.constant 0 : i32
    %eq3A_1 = arith.cmpi eq, %arg0, %eq3A : i32
    %convert_element_type3A = arith.extui %eq3A_1 : i1 to i32
    %cond3A = arith.constant 0 : i32
    %cond3A_2 = arith.cmpi ne, %convert_element_type3A, %cond3A : i32
    scf.if %cond3A_2 {
      %mul3A_85 = arith.constant 640 : i32
      %mul3A_86 = arith.muli %arg1, %mul3A_85 : i32
      "tpu.region"() ({
        %run_scoped3A = tpu.sem_alloc : memref<!tpu.dma_semaphore, #tpu.memory_space<semaphore_mem>>
        %dma_start3A_87 = tpu.memref_slice %arg17[%mul3A_86] : memref<10240xf32, #tpu.memory_space<vmem_shared>> -> memref<640xf32, #tpu.memory_space<vmem_shared>>
        tpu.enqueue_dma source(%arg6 : memref<640xf32, #tpu.memory_space<hbm>>) target(%dma_start3A_87 : memref<640xf32, #tpu.memory_space<vmem_shared>>) target_semaphore(%run_scoped3A : memref<!tpu.dma_semaphore, #tpu.memory_space<semaphore_mem>>)
        %dma_wait3A = tpu.memref_slice %arg17[%mul3A_86] : memref<10240xf32, #tpu.memory_space<vmem_shared>> -> memref<640xf32, #tpu.memory_space<vmem_shared>>
        tpu.wait_dma2 semaphore(%run_scoped3A : memref<!tpu.dma_semaphore, #tpu.memory_space<semaphore_mem>>) src(%arg6 : memref<640xf32, #tpu.memory_space<hbm>>) dst(%dma_wait3A : memref<640xf32, #tpu.memory_space<vmem_shared>>)
        tpu.yield
      }) : () -> ()
    } else {
    }
    %broadcast_in_dim3A = arith.constant 1.000000e+00 : f32
    %broadcast_in_dim3A_3 = vector.broadcast %broadcast_in_dim3A : f32 to vector<16xf32>
    %swap3A = arith.constant 0 : index
    %swap3A_4 = tpu.vector_load %arg15[%swap3A] {strides = array<i32>} : memref<128xf32, #tpu.memory_space<vmem>>, vector<16xf32>,
    %swap3A_5 = vector.shape_cast %swap3A_4 : vector<16xf32> to vector<16xf32>
    %swap3A_6 = vector.shape_cast %broadcast_in_dim3A_3 : vector<16xf32> to vector<16xf32>
    tpu.vector_store %arg15[%swap3A], %swap3A_6 {strides = array<i32>} : memref<128xf32, #tpu.memory_space<vmem>>, vector<16xf32>,
    %broadcast_in_dim3A_7 = arith.constant 1.000000e+00 : f32
    %broadcast_in_dim3A_8 = vector.broadcast %broadcast_in_dim3A_7 : f32 to vector<16xf32>
    %swap3A_9 = arith.constant 16 : index
    %swap3A_10 = tpu.vector_load %arg15[%swap3A_9] {strides = array<i32>} : memref<128xf32, #tpu.memory_space<vmem>>, vector<16xf32>,
    %swap3A_11 = vector.shape_cast %swap3A_10 : vector<16xf32> to vector<16xf32>
    %swap3A_12 = vector.shape_cast %broadcast_in_dim3A_8 : vector<16xf32> to vector<16xf32>
    tpu.vector_store %arg15[%swap3A_9], %swap3A_12 {strides = array<i32>} : memref<128xf32, #tpu.memory_space<vmem>>, vector<16xf32>,
    %broadcast_in_dim3A_13 = arith.constant 1.000000e+00 : f32
    %broadcast_in_dim3A_14 = vector.broadcast %broadcast_in_dim3A_13 : f32 to vector<16xf32>
    %swap3A_15 = arith.constant 32 : index
    %swap3A_16 = tpu.vector_load %arg15[%swap3A_15] {strides = array<i32>} : memref<128xf32, #tpu.memory_space<vmem>>, vector<16xf32>,
    %swap3A_17 = vector.shape_cast %swap3A_16 : vector<16xf32> to vector<16xf32>
    %swap3A_18 = vector.shape_cast %broadcast_in_dim3A_14 : vector<16xf32> to vector<16xf32>
    tpu.vector_store %arg15[%swap3A_15], %swap3A_18 {strides = array<i32>} : memref<128xf32, #tpu.memory_space<vmem>>, vector<16xf32>,
    %broadcast_in_dim3A_19 = arith.constant 1.000000e+00 : f32
    %broadcast_in_dim3A_20 = vector.broadcast %broadcast_in_dim3A_19 : f32 to vector<16xf32>
    %swap3A_21 = arith.constant 48 : index
    %swap3A_22 = tpu.vector_load %arg15[%swap3A_21] {strides = array<i32>} : memref<128xf32, #tpu.memory_space<vmem>>, vector<16xf32>,
    %swap3A_23 = vector.shape_cast %swap3A_22 : vector<16xf32> to vector<16xf32>
    %swap3A_24 = vector.shape_cast %broadcast_in_dim3A_20 : vector<16xf32> to vector<16xf32>
    tpu.vector_store %arg15[%swap3A_21], %swap3A_24 {strides = array<i32>} : memref<128xf32, #tpu.memory_space<vmem>>, vector<16xf32>,
    %broadcast_in_dim3A_25 = arith.constant 1.000000e+00 : f32
    %broadcast_in_dim3A_26 = vector.broadcast %broadcast_in_dim3A_25 : f32 to vector<16xf32>
    %swap3A_27 = arith.constant 64 : index
    %swap3A_28 = tpu.vector_load %arg15[%swap3A_27] {strides = array<i32>} : memref<128xf32, #tpu.memory_space<vmem>>, vector<16xf32>,
    %swap3A_29 = vector.shape_cast %swap3A_28 : vector<16xf32> to vector<16xf32>
    %swap3A_30 = vector.shape_cast %broadcast_in_dim3A_26 : vector<16xf32> to vector<16xf32>
    tpu.vector_store %arg15[%swap3A_27], %swap3A_30 {strides = array<i32>} : memref<128xf32, #tpu.memory_space<vmem>>, vector<16xf32>,
    %broadcast_in_dim3A_31 = arith.constant 1.000000e+00 : f32
    %broadcast_in_dim3A_32 = vector.broadcast %broadcast_in_dim3A_31 : f32 to vector<16xf32>
    %swap3A_33 = arith.constant 80 : index
    %swap3A_34 = tpu.vector_load %arg15[%swap3A_33] {strides = array<i32>} : memref<128xf32, #tpu.memory_space<vmem>>, vector<16xf32>,
    %swap3A_35 = vector.shape_cast %swap3A_34 : vector<16xf32> to vector<16xf32>
    %swap3A_36 = vector.shape_cast %broadcast_in_dim3A_32 : vector<16xf32> to vector<16xf32>
    tpu.vector_store %arg15[%swap3A_33], %swap3A_36 {strides = array<i32>} : memref<128xf32, #tpu.memory_space<vmem>>, vector<16xf32>,
    %broadcast_in_dim3A_37 = arith.constant 1.000000e+00 : f32
    %broadcast_in_dim3A_38 = vector.broadcast %broadcast_in_dim3A_37 : f32 to vector<16xf32>
    %swap3A_39 = arith.constant 96 : index
    %swap3A_40 = tpu.vector_load %arg15[%swap3A_39] {strides = array<i32>} : memref<128xf32, #tpu.memory_space<vmem>>, vector<16xf32>,
    %swap3A_41 = vector.shape_cast %swap3A_40 : vector<16xf32> to vector<16xf32>
    %swap3A_42 = vector.shape_cast %broadcast_in_dim3A_38 : vector<16xf32> to vector<16xf32>
    tpu.vector_store %arg15[%swap3A_39], %swap3A_42 {strides = array<i32>} : memref<128xf32, #tpu.memory_space<vmem>>, vector<16xf32>,
    %broadcast_in_dim3A_43 = arith.constant 1.000000e+00 : f32
    %broadcast_in_dim3A_44 = vector.broadcast %broadcast_in_dim3A_43 : f32 to vector<16xf32>
    %swap3A_45 = arith.constant 112 : index
    %swap3A_46 = tpu.vector_load %arg15[%swap3A_45] {strides = array<i32>} : memref<128xf32, #tpu.memory_space<vmem>>, vector<16xf32>,
    %swap3A_47 = vector.shape_cast %swap3A_46 : vector<16xf32> to vector<16xf32>
    %swap3A_48 = vector.shape_cast %broadcast_in_dim3A_44 : vector<16xf32> to vector<16xf32>
    tpu.vector_store %arg15[%swap3A_45], %swap3A_48 {strides = array<i32>} : memref<128xf32, #tpu.memory_space<vmem>>, vector<16xf32>,
    %dma_start3A = arith.constant 0 : i32
    %dma_start3A_49 = arith.constant 0 : i32
    %dma_start3A_50 = tpu.memref_slice %arg9[%dma_start3A, %dma_start3A_49] : memref<160x128xi32, #tpu.memory_space<vmem>> -> memref<1x128xi32, #tpu.memory_space<vmem>>
    %dma_start3A_51 = tpu.memref_squeeze %dma_start3A_50 : memref<1x128xi32, #tpu.memory_space<vmem>> -> memref<128xi32, #tpu.memory_space<vmem>>
    %dma_start3A_52 = arith.constant 0 : i32
    %dma_start3A_53 = arith.constant 0 : i32
    %dma_start3A_54 = tpu.memref_slice %arg2[%dma_start3A_52, %dma_start3A_53] : memref<20000x64xf32, #tpu.memory_space<hbm>> -> memref<20000x64xf32, #tpu.memory_space<hbm>>
    tpu.enqueue_indirect_dma source(%dma_start3A_54 : memref<20000x64xf32, #tpu.memory_space<hbm>>) target(%arg11 : memref<128x64xf32, #tpu.memory_space<vmem>>) offsets(%dma_start3A_51 : memref<128xi32, #tpu.memory_space<vmem>>) semaphore(%arg18 : memref<!tpu.dma_semaphore, #tpu.memory_space<semaphore_mem>>)
    %dma_start3A_55 = arith.constant 1 : i32
    %dma_start3A_56 = arith.constant 0 : i32
    %dma_start3A_57 = tpu.memref_slice %arg9[%dma_start3A_55, %dma_start3A_56] : memref<160x128xi32, #tpu.memory_space<vmem>> -> memref<1x128xi32, #tpu.memory_space<vmem>>
    %dma_start3A_58 = tpu.memref_squeeze %dma_start3A_57 : memref<1x128xi32, #tpu.memory_space<vmem>> -> memref<128xi32, #tpu.memory_space<vmem>>
    %dma_start3A_59 = arith.constant 0 : i32
    %dma_start3A_60 = arith.constant 0 : i32
    %dma_start3A_61 = tpu.memref_slice %arg2[%dma_start3A_59, %dma_start3A_60] : memref<20000x64xf32, #tpu.memory_space<hbm>> -> memref<20000x64xf32, #tpu.memory_space<hbm>>
    tpu.enqueue_indirect_dma source(%dma_start3A_61 : memref<20000x64xf32, #tpu.memory_space<hbm>>) target(%arg12 : memref<128x64xf32, #tpu.memory_space<vmem>>) offsets(%dma_start3A_58 : memref<128xi32, #tpu.memory_space<vmem>>) semaphore(%arg19 : memref<!tpu.dma_semaphore, #tpu.memory_space<semaphore_mem>>)
    %dma_start3A_62 = arith.constant 2 : i32
    %dma_start3A_63 = arith.constant 0 : i32
    %dma_start3A_64 = tpu.memref_slice %arg9[%dma_start3A_62, %dma_start3A_63] : memref<160x128xi32, #tpu.memory_space<vmem>> -> memref<1x128xi32, #tpu.memory_space<vmem>>
    %dma_start3A_65 = tpu.memref_squeeze %dma_start3A_64 : memref<1x128xi32, #tpu.memory_space<vmem>> -> memref<128xi32, #tpu.memory_space<vmem>>
    %dma_start3A_66 = arith.constant 0 : i32
    %dma_start3A_67 = arith.constant 0 : i32
    %dma_start3A_68 = tpu.memref_slice %arg2[%dma_start3A_66, %dma_start3A_67] : memref<20000x64xf32, #tpu.memory_space<hbm>> -> memref<20000x64xf32, #tpu.memory_space<hbm>>
    tpu.enqueue_indirect_dma source(%dma_start3A_68 : memref<20000x64xf32, #tpu.memory_space<hbm>>) target(%arg13 : memref<128x64xf32, #tpu.memory_space<vmem>>) offsets(%dma_start3A_65 : memref<128xi32, #tpu.memory_space<vmem>>) semaphore(%arg20 : memref<!tpu.dma_semaphore, #tpu.memory_space<semaphore_mem>>)
    %barrier3A = arith.constant 0 : index
    tpu.barrier barrier_id(%barrier3A)
    %scan3A = arith.constant 0 : i32
    %scan3A_69 = arith.constant 40 : i32
    %scan3A_70 = arith.addi %scan3A, %scan3A_69 : i32
    %scan3A_71 = arith.constant 1 : i32
    scf.for %scan3A_85 = %scan3A to %scan3A_70 step %scan3A_71  : i32 {
      %mul3A_86 = arith.constant 4 : i32
      %mul3A_87 = arith.muli %scan3A_85, %mul3A_86 : i32
      %add3A = arith.constant 0 : i32
      %add3A_88 = arith.addi %add3A, %mul3A_87 : i32
      %add3A_89 = arith.constant 0 : i32
      %add3A_90 = arith.addi %add3A_88, %add3A_89 : i32
      %dma_wait3A = arith.constant 0 : i32
      %dma_wait3A_91 = tpu.memref_slice %arg9[%add3A_90, %dma_wait3A] : memref<160x128xi32, #tpu.memory_space<vmem>> -> memref<1x128xi32, #tpu.memory_space<vmem>>
      %dma_wait3A_92 = tpu.memref_squeeze %dma_wait3A_91 : memref<1x128xi32, #tpu.memory_space<vmem>> -> memref<128xi32, #tpu.memory_space<vmem>>
      %dma_wait3A_93 = arith.constant 0 : i32
      %dma_wait3A_94 = arith.constant 0 : i32
      %dma_wait3A_95 = tpu.memref_slice %arg2[%dma_wait3A_93, %dma_wait3A_94] : memref<20000x64xf32, #tpu.memory_space<hbm>> -> memref<20000x64xf32, #tpu.memory_space<hbm>>
      tpu.wait_indirect_dma semaphore(%arg18 : memref<!tpu.dma_semaphore, #tpu.memory_space<semaphore_mem>>) src(%dma_wait3A_95 : memref<20000x64xf32, #tpu.memory_space<hbm>>) dst(%arg11 : memref<128x64xf32, #tpu.memory_space<vmem>>)
      %add3A_96 = arith.constant 3 : i32
      %add3A_97 = arith.addi %add3A_90, %add3A_96 : i32
      %lt3A = arith.constant 160 : i32
      %lt3A_98 = arith.cmpi slt, %add3A_97, %lt3A : i32
      %convert_element_type3A_99 = arith.extui %lt3A_98 : i1 to i32
      %cond3A_100 = arith.constant 0 : i32
      %cond3A_101 = arith.cmpi ne, %convert_element_type3A_99, %cond3A_100 : i32
      scf.if %cond3A_101 {
        %add3A_167 = arith.constant 3 : i32
        %add3A_168 = arith.addi %add3A_90, %add3A_167 : i32
        %dma_start3A_169 = arith.constant 0 : i32
        %dma_start3A_170 = tpu.memref_slice %arg9[%add3A_168, %dma_start3A_169] : memref<160x128xi32, #tpu.memory_space<vmem>> -> memref<1x128xi32, #tpu.memory_space<vmem>>
        %dma_start3A_171 = tpu.memref_squeeze %dma_start3A_170 : memref<1x128xi32, #tpu.memory_space<vmem>> -> memref<128xi32, #tpu.memory_space<vmem>>
        %dma_start3A_172 = arith.constant 0 : i32
        %dma_start3A_173 = arith.constant 0 : i32
        %dma_start3A_174 = tpu.memref_slice %arg2[%dma_start3A_172, %dma_start3A_173] : memref<20000x64xf32, #tpu.memory_space<hbm>> -> memref<20000x64xf32, #tpu.memory_space<hbm>>
        tpu.enqueue_indirect_dma source(%dma_start3A_174 : memref<20000x64xf32, #tpu.memory_space<hbm>>) target(%arg14 : memref<128x64xf32, #tpu.memory_space<vmem>>) offsets(%dma_start3A_171 : memref<128xi32, #tpu.memory_space<vmem>>) semaphore(%arg21 : memref<!tpu.dma_semaphore, #tpu.memory_space<semaphore_mem>>)
      } else {
      }
      "tpu.region"() ({
        %run_scoped3A = tpu.sem_alloc : memref<!tpu.dma_semaphore, #tpu.memory_space<semaphore_mem>>
        %dma_start3A_167 = arith.constant 0 : i32
        %dma_start3A_168 = tpu.memref_slice %arg10[%add3A_90, %dma_start3A_167] : memref<160x128xi32, #tpu.memory_space<vmem>> -> memref<1x128xi32, #tpu.memory_space<vmem>>
        %dma_start3A_169 = tpu.memref_squeeze %dma_start3A_168 : memref<1x128xi32, #tpu.memory_space<vmem>> -> memref<128xi32, #tpu.memory_space<vmem>>
        %dma_start3A_170 = arith.constant 0 : i32
        %dma_start3A_171 = arith.constant 0 : i32
        %dma_start3A_172 = tpu.memref_slice %arg16[%dma_start3A_170, %dma_start3A_171] : memref<10240x64xf32, #tpu.memory_space<vmem_shared>> -> memref<10240x64xf32, #tpu.memory_space<vmem_shared>>
        tpu.enqueue_indirect_dma source(%arg11 : memref<128x64xf32, #tpu.memory_space<vmem>>) target(%dma_start3A_172 : memref<10240x64xf32, #tpu.memory_space<vmem_shared>>) offsets(%dma_start3A_169 : memref<128xi32, #tpu.memory_space<vmem>>) semaphore(%run_scoped3A : memref<!tpu.dma_semaphore, #tpu.memory_space<semaphore_mem>>) {add = true}
        %dma_wait3A_173 = arith.constant 0 : i32
        %dma_wait3A_174 = tpu.memref_slice %arg10[%add3A_90, %dma_wait3A_173] : memref<160x128xi32, #tpu.memory_space<vmem>> -> memref<1x128xi32, #tpu.memory_space<vmem>>
        %dma_wait3A_175 = tpu.memref_squeeze %dma_wait3A_174 : memref<1x128xi32, #tpu.memory_space<vmem>> -> memref<128xi32, #tpu.memory_space<vmem>>
        %dma_wait3A_176 = arith.constant 0 : i32
        %dma_wait3A_177 = arith.constant 0 : i32
        %dma_wait3A_178 = tpu.memref_slice %arg16[%dma_wait3A_176, %dma_wait3A_177] : memref<10240x64xf32, #tpu.memory_space<vmem_shared>> -> memref<10240x64xf32, #tpu.memory_space<vmem_shared>>
        tpu.wait_indirect_dma semaphore(%run_scoped3A : memref<!tpu.dma_semaphore, #tpu.memory_space<semaphore_mem>>) src(%arg11 : memref<128x64xf32, #tpu.memory_space<vmem>>) dst(%dma_wait3A_178 : memref<10240x64xf32, #tpu.memory_space<vmem_shared>>)
        tpu.yield
      }) : () -> ()
      %eq3A_102 = arith.constant 0 : i32
      %eq3A_103 = arith.cmpi eq, %arg0, %eq3A_102 : i32
      %convert_element_type3A_104 = arith.extui %eq3A_103 : i1 to i32
      %cond3A_105 = arith.constant 0 : i32
      %cond3A_106 = arith.cmpi ne, %convert_element_type3A_104, %cond3A_105 : i32
      scf.if %cond3A_106 {
        "tpu.region"() ({
          %run_scoped3A = tpu.sem_alloc : memref<!tpu.dma_semaphore, #tpu.memory_space<semaphore_mem>>
          %dma_start3A_167 = arith.constant 0 : i32
          %dma_start3A_168 = tpu.memref_slice %arg10[%add3A_90, %dma_start3A_167] : memref<160x128xi32, #tpu.memory_space<vmem>> -> memref<1x128xi32, #tpu.memory_space<vmem>>
          %dma_start3A_169 = tpu.memref_squeeze %dma_start3A_168 : memref<1x128xi32, #tpu.memory_space<vmem>> -> memref<128xi32, #tpu.memory_space<vmem>>
          %dma_start3A_170 = arith.constant 0 : i32
          %dma_start3A_171 = tpu.memref_slice %arg17[%dma_start3A_170] : memref<10240xf32, #tpu.memory_space<vmem_shared>> -> memref<10240xf32, #tpu.memory_space<vmem_shared>>
          tpu.enqueue_indirect_dma source(%arg15 : memref<128xf32, #tpu.memory_space<vmem>>) target(%dma_start3A_171 : memref<10240xf32, #tpu.memory_space<vmem_shared>>) offsets(%dma_start3A_169 : memref<128xi32, #tpu.memory_space<vmem>>) semaphore(%run_scoped3A : memref<!tpu.dma_semaphore, #tpu.memory_space<semaphore_mem>>) {add = true}
          %dma_wait3A_172 = arith.constant 0 : i32
          %dma_wait3A_173 = tpu.memref_slice %arg10[%add3A_90, %dma_wait3A_172] : memref<160x128xi32, #tpu.memory_space<vmem>> -> memref<1x128xi32, #tpu.memory_space<vmem>>
          %dma_wait3A_174 = tpu.memref_squeeze %dma_wait3A_173 : memref<1x128xi32, #tpu.memory_space<vmem>> -> memref<128xi32, #tpu.memory_space<vmem>>
          %dma_wait3A_175 = arith.constant 0 : i32
          %dma_wait3A_176 = tpu.memref_slice %arg17[%dma_wait3A_175] : memref<10240xf32, #tpu.memory_space<vmem_shared>> -> memref<10240xf32, #tpu.memory_space<vmem_shared>>
          tpu.wait_indirect_dma semaphore(%run_scoped3A : memref<!tpu.dma_semaphore, #tpu.memory_space<semaphore_mem>>) src(%arg15 : memref<128xf32, #tpu.memory_space<vmem>>) dst(%dma_wait3A_176 : memref<10240xf32, #tpu.memory_space<vmem_shared>>)
          tpu.yield
        }) : () -> ()
      } else {
      }
      %add3A_107 = arith.constant 1 : i32
      %add3A_108 = arith.addi %add3A_88, %add3A_107 : i32
      %dma_wait3A_109 = arith.constant 0 : i32
      %dma_wait3A_110 = tpu.memref_slice %arg9[%add3A_108, %dma_wait3A_109] : memref<160x128xi32, #tpu.memory_space<vmem>> -> memref<1x128xi32, #tpu.memory_space<vmem>>
      %dma_wait3A_111 = tpu.memref_squeeze %dma_wait3A_110 : memref<1x128xi32, #tpu.memory_space<vmem>> -> memref<128xi32, #tpu.memory_space<vmem>>
      %dma_wait3A_112 = arith.constant 0 : i32
      %dma_wait3A_113 = arith.constant 0 : i32
      %dma_wait3A_114 = tpu.memref_slice %arg2[%dma_wait3A_112, %dma_wait3A_113] : memref<20000x64xf32, #tpu.memory_space<hbm>> -> memref<20000x64xf32, #tpu.memory_space<hbm>>
      tpu.wait_indirect_dma semaphore(%arg19 : memref<!tpu.dma_semaphore, #tpu.memory_space<semaphore_mem>>) src(%dma_wait3A_114 : memref<20000x64xf32, #tpu.memory_space<hbm>>) dst(%arg12 : memref<128x64xf32, #tpu.memory_space<vmem>>)
      %add3A_115 = arith.constant 3 : i32
      %add3A_116 = arith.addi %add3A_108, %add3A_115 : i32
      %lt3A_117 = arith.constant 160 : i32
      %lt3A_118 = arith.cmpi slt, %add3A_116, %lt3A_117 : i32
      %convert_element_type3A_119 = arith.extui %lt3A_118 : i1 to i32
      %cond3A_120 = arith.constant 0 : i32
      %cond3A_121 = arith.cmpi ne, %convert_element_type3A_119, %cond3A_120 : i32
      scf.if %cond3A_121 {
        %add3A_167 = arith.constant 3 : i32
        %add3A_168 = arith.addi %add3A_108, %add3A_167 : i32
        %dma_start3A_169 = arith.constant 0 : i32
        %dma_start3A_170 = tpu.memref_slice %arg9[%add3A_168, %dma_start3A_169] : memref<160x128xi32, #tpu.memory_space<vmem>> -> memref<1x128xi32, #tpu.memory_space<vmem>>
        %dma_start3A_171 = tpu.memref_squeeze %dma_start3A_170 : memref<1x128xi32, #tpu.memory_space<vmem>> -> memref<128xi32, #tpu.memory_space<vmem>>
        %dma_start3A_172 = arith.constant 0 : i32
        %dma_start3A_173 = arith.constant 0 : i32
        %dma_start3A_174 = tpu.memref_slice %arg2[%dma_start3A_172, %dma_start3A_173] : memref<20000x64xf32, #tpu.memory_space<hbm>> -> memref<20000x64xf32, #tpu.memory_space<hbm>>
        tpu.enqueue_indirect_dma source(%dma_start3A_174 : memref<20000x64xf32, #tpu.memory_space<hbm>>) target(%arg11 : memref<128x64xf32, #tpu.memory_space<vmem>>) offsets(%dma_start3A_171 : memref<128xi32, #tpu.memory_space<vmem>>) semaphore(%arg18 : memref<!tpu.dma_semaphore, #tpu.memory_space<semaphore_mem>>)
      } else {
      }
      "tpu.region"() ({
        %run_scoped3A = tpu.sem_alloc : memref<!tpu.dma_semaphore, #tpu.memory_space<semaphore_mem>>
        %dma_start3A_167 = arith.constant 0 : i32
        %dma_start3A_168 = tpu.memref_slice %arg10[%add3A_108, %dma_start3A_167] : memref<160x128xi32, #tpu.memory_space<vmem>> -> memref<1x128xi32, #tpu.memory_space<vmem>>
        %dma_start3A_169 = tpu.memref_squeeze %dma_start3A_168 : memref<1x128xi32, #tpu.memory_space<vmem>> -> memref<128xi32, #tpu.memory_space<vmem>>
        %dma_start3A_170 = arith.constant 0 : i32
        %dma_start3A_171 = arith.constant 0 : i32
        %dma_start3A_172 = tpu.memref_slice %arg16[%dma_start3A_170, %dma_start3A_171] : memref<10240x64xf32, #tpu.memory_space<vmem_shared>> -> memref<10240x64xf32, #tpu.memory_space<vmem_shared>>
        tpu.enqueue_indirect_dma source(%arg12 : memref<128x64xf32, #tpu.memory_space<vmem>>) target(%dma_start3A_172 : memref<10240x64xf32, #tpu.memory_space<vmem_shared>>) offsets(%dma_start3A_169 : memref<128xi32, #tpu.memory_space<vmem>>) semaphore(%run_scoped3A : memref<!tpu.dma_semaphore, #tpu.memory_space<semaphore_mem>>) {add = true}
        %dma_wait3A_173 = arith.constant 0 : i32
        %dma_wait3A_174 = tpu.memref_slice %arg10[%add3A_108, %dma_wait3A_173] : memref<160x128xi32, #tpu.memory_space<vmem>> -> memref<1x128xi32, #tpu.memory_space<vmem>>
        %dma_wait3A_175 = tpu.memref_squeeze %dma_wait3A_174 : memref<1x128xi32, #tpu.memory_space<vmem>> -> memref<128xi32, #tpu.memory_space<vmem>>
        %dma_wait3A_176 = arith.constant 0 : i32
        %dma_wait3A_177 = arith.constant 0 : i32
        %dma_wait3A_178 = tpu.memref_slice %arg16[%dma_wait3A_176, %dma_wait3A_177] : memref<10240x64xf32, #tpu.memory_space<vmem_shared>> -> memref<10240x64xf32, #tpu.memory_space<vmem_shared>>
        tpu.wait_indirect_dma semaphore(%run_scoped3A : memref<!tpu.dma_semaphore, #tpu.memory_space<semaphore_mem>>) src(%arg12 : memref<128x64xf32, #tpu.memory_space<vmem>>) dst(%dma_wait3A_178 : memref<10240x64xf32, #tpu.memory_space<vmem_shared>>)
        tpu.yield
      }) : () -> ()
      %eq3A_122 = arith.constant 0 : i32
      %eq3A_123 = arith.cmpi eq, %arg0, %eq3A_122 : i32
      %convert_element_type3A_124 = arith.extui %eq3A_123 : i1 to i32
      %cond3A_125 = arith.constant 0 : i32
      %cond3A_126 = arith.cmpi ne, %convert_element_type3A_124, %cond3A_125 : i32
      scf.if %cond3A_126 {
        "tpu.region"() ({
          %run_scoped3A = tpu.sem_alloc : memref<!tpu.dma_semaphore, #tpu.memory_space<semaphore_mem>>
          %dma_start3A_167 = arith.constant 0 : i32
          %dma_start3A_168 = tpu.memref_slice %arg10[%add3A_108, %dma_start3A_167] : memref<160x128xi32, #tpu.memory_space<vmem>> -> memref<1x128xi32, #tpu.memory_space<vmem>>
          %dma_start3A_169 = tpu.memref_squeeze %dma_start3A_168 : memref<1x128xi32, #tpu.memory_space<vmem>> -> memref<128xi32, #tpu.memory_space<vmem>>
          %dma_start3A_170 = arith.constant 0 : i32
          %dma_start3A_171 = tpu.memref_slice %arg17[%dma_start3A_170] : memref<10240xf32, #tpu.memory_space<vmem_shared>> -> memref<10240xf32, #tpu.memory_space<vmem_shared>>
          tpu.enqueue_indirect_dma source(%arg15 : memref<128xf32, #tpu.memory_space<vmem>>) target(%dma_start3A_171 : memref<10240xf32, #tpu.memory_space<vmem_shared>>) offsets(%dma_start3A_169 : memref<128xi32, #tpu.memory_space<vmem>>) semaphore(%run_scoped3A : memref<!tpu.dma_semaphore, #tpu.memory_space<semaphore_mem>>) {add = true}
          %dma_wait3A_172 = arith.constant 0 : i32
          %dma_wait3A_173 = tpu.memref_slice %arg10[%add3A_108, %dma_wait3A_172] : memref<160x128xi32, #tpu.memory_space<vmem>> -> memref<1x128xi32, #tpu.memory_space<vmem>>
          %dma_wait3A_174 = tpu.memref_squeeze %dma_wait3A_173 : memref<1x128xi32, #tpu.memory_space<vmem>> -> memref<128xi32, #tpu.memory_space<vmem>>
          %dma_wait3A_175 = arith.constant 0 : i32
          %dma_wait3A_176 = tpu.memref_slice %arg17[%dma_wait3A_175] : memref<10240xf32, #tpu.memory_space<vmem_shared>> -> memref<10240xf32, #tpu.memory_space<vmem_shared>>
          tpu.wait_indirect_dma semaphore(%run_scoped3A : memref<!tpu.dma_semaphore, #tpu.memory_space<semaphore_mem>>) src(%arg15 : memref<128xf32, #tpu.memory_space<vmem>>) dst(%dma_wait3A_176 : memref<10240xf32, #tpu.memory_space<vmem_shared>>)
          tpu.yield
        }) : () -> ()
      } else {
      }
      %add3A_127 = arith.constant 2 : i32
      %add3A_128 = arith.addi %add3A_88, %add3A_127 : i32
      %dma_wait3A_129 = arith.constant 0 : i32
      %dma_wait3A_130 = tpu.memref_slice %arg9[%add3A_128, %dma_wait3A_129] : memref<160x128xi32, #tpu.memory_space<vmem>> -> memref<1x128xi32, #tpu.memory_space<vmem>>
      %dma_wait3A_131 = tpu.memref_squeeze %dma_wait3A_130 : memref<1x128xi32, #tpu.memory_space<vmem>> -> memref<128xi32, #tpu.memory_space<vmem>>
      %dma_wait3A_132 = arith.constant 0 : i32
      %dma_wait3A_133 = arith.constant 0 : i32
      %dma_wait3A_134 = tpu.memref_slice %arg2[%dma_wait3A_132, %dma_wait3A_133] : memref<20000x64xf32, #tpu.memory_space<hbm>> -> memref<20000x64xf32, #tpu.memory_space<hbm>>
      tpu.wait_indirect_dma semaphore(%arg20 : memref<!tpu.dma_semaphore, #tpu.memory_space<semaphore_mem>>) src(%dma_wait3A_134 : memref<20000x64xf32, #tpu.memory_space<hbm>>) dst(%arg13 : memref<128x64xf32, #tpu.memory_space<vmem>>)
      %add3A_135 = arith.constant 3 : i32
      %add3A_136 = arith.addi %add3A_128, %add3A_135 : i32
      %lt3A_137 = arith.constant 160 : i32
      %lt3A_138 = arith.cmpi slt, %add3A_136, %lt3A_137 : i32
      %convert_element_type3A_139 = arith.extui %lt3A_138 : i1 to i32
      %cond3A_140 = arith.constant 0 : i32
      %cond3A_141 = arith.cmpi ne, %convert_element_type3A_139, %cond3A_140 : i32
      scf.if %cond3A_141 {
        %add3A_167 = arith.constant 3 : i32
        %add3A_168 = arith.addi %add3A_128, %add3A_167 : i32
        %dma_start3A_169 = arith.constant 0 : i32
        %dma_start3A_170 = tpu.memref_slice %arg9[%add3A_168, %dma_start3A_169] : memref<160x128xi32, #tpu.memory_space<vmem>> -> memref<1x128xi32, #tpu.memory_space<vmem>>
        %dma_start3A_171 = tpu.memref_squeeze %dma_start3A_170 : memref<1x128xi32, #tpu.memory_space<vmem>> -> memref<128xi32, #tpu.memory_space<vmem>>
        %dma_start3A_172 = arith.constant 0 : i32
        %dma_start3A_173 = arith.constant 0 : i32
        %dma_start3A_174 = tpu.memref_slice %arg2[%dma_start3A_172, %dma_start3A_173] : memref<20000x64xf32, #tpu.memory_space<hbm>> -> memref<20000x64xf32, #tpu.memory_space<hbm>>
        tpu.enqueue_indirect_dma source(%dma_start3A_174 : memref<20000x64xf32, #tpu.memory_space<hbm>>) target(%arg12 : memref<128x64xf32, #tpu.memory_space<vmem>>) offsets(%dma_start3A_171 : memref<128xi32, #tpu.memory_space<vmem>>) semaphore(%arg19 : memref<!tpu.dma_semaphore, #tpu.memory_space<semaphore_mem>>)
      } else {
      }
      "tpu.region"() ({
        %run_scoped3A = tpu.sem_alloc : memref<!tpu.dma_semaphore, #tpu.memory_space<semaphore_mem>>
        %dma_start3A_167 = arith.constant 0 : i32
        %dma_start3A_168 = tpu.memref_slice %arg10[%add3A_128, %dma_start3A_167] : memref<160x128xi32, #tpu.memory_space<vmem>> -> memref<1x128xi32, #tpu.memory_space<vmem>>
        %dma_start3A_169 = tpu.memref_squeeze %dma_start3A_168 : memref<1x128xi32, #tpu.memory_space<vmem>> -> memref<128xi32, #tpu.memory_space<vmem>>
        %dma_start3A_170 = arith.constant 0 : i32
        %dma_start3A_171 = arith.constant 0 : i32
        %dma_start3A_172 = tpu.memref_slice %arg16[%dma_start3A_170, %dma_start3A_171] : memref<10240x64xf32, #tpu.memory_space<vmem_shared>> -> memref<10240x64xf32, #tpu.memory_space<vmem_shared>>
        tpu.enqueue_indirect_dma source(%arg13 : memref<128x64xf32, #tpu.memory_space<vmem>>) target(%dma_start3A_172 : memref<10240x64xf32, #tpu.memory_space<vmem_shared>>) offsets(%dma_start3A_169 : memref<128xi32, #tpu.memory_space<vmem>>) semaphore(%run_scoped3A : memref<!tpu.dma_semaphore, #tpu.memory_space<semaphore_mem>>) {add = true}
        %dma_wait3A_173 = arith.constant 0 : i32
        %dma_wait3A_174 = tpu.memref_slice %arg10[%add3A_128, %dma_wait3A_173] : memref<160x128xi32, #tpu.memory_space<vmem>> -> memref<1x128xi32, #tpu.memory_space<vmem>>
        %dma_wait3A_175 = tpu.memref_squeeze %dma_wait3A_174 : memref<1x128xi32, #tpu.memory_space<vmem>> -> memref<128xi32, #tpu.memory_space<vmem>>
        %dma_wait3A_176 = arith.constant 0 : i32
        %dma_wait3A_177 = arith.constant 0 : i32
        %dma_wait3A_178 = tpu.memref_slice %arg16[%dma_wait3A_176, %dma_wait3A_177] : memref<10240x64xf32, #tpu.memory_space<vmem_shared>> -> memref<10240x64xf32, #tpu.memory_space<vmem_shared>>
        tpu.wait_indirect_dma semaphore(%run_scoped3A : memref<!tpu.dma_semaphore, #tpu.memory_space<semaphore_mem>>) src(%arg13 : memref<128x64xf32, #tpu.memory_space<vmem>>) dst(%dma_wait3A_178 : memref<10240x64xf32, #tpu.memory_space<vmem_shared>>)
        tpu.yield
      }) : () -> ()
      %eq3A_142 = arith.constant 0 : i32
      %eq3A_143 = arith.cmpi eq, %arg0, %eq3A_142 : i32
      %convert_element_type3A_144 = arith.extui %eq3A_143 : i1 to i32
      %cond3A_145 = arith.constant 0 : i32
      %cond3A_146 = arith.cmpi ne, %convert_element_type3A_144, %cond3A_145 : i32
      scf.if %cond3A_146 {
        "tpu.region"() ({
          %run_scoped3A = tpu.sem_alloc : memref<!tpu.dma_semaphore, #tpu.memory_space<semaphore_mem>>
          %dma_start3A_167 = arith.constant 0 : i32
          %dma_start3A_168 = tpu.memref_slice %arg10[%add3A_128, %dma_start3A_167] : memref<160x128xi32, #tpu.memory_space<vmem>> -> memref<1x128xi32, #tpu.memory_space<vmem>>
          %dma_start3A_169 = tpu.memref_squeeze %dma_start3A_168 : memref<1x128xi32, #tpu.memory_space<vmem>> -> memref<128xi32, #tpu.memory_space<vmem>>
          %dma_start3A_170 = arith.constant 0 : i32
          %dma_start3A_171 = tpu.memref_slice %arg17[%dma_start3A_170] : memref<10240xf32, #tpu.memory_space<vmem_shared>> -> memref<10240xf32, #tpu.memory_space<vmem_shared>>
          tpu.enqueue_indirect_dma source(%arg15 : memref<128xf32, #tpu.memory_space<vmem>>) target(%dma_start3A_171 : memref<10240xf32, #tpu.memory_space<vmem_shared>>) offsets(%dma_start3A_169 : memref<128xi32, #tpu.memory_space<vmem>>) semaphore(%run_scoped3A : memref<!tpu.dma_semaphore, #tpu.memory_space<semaphore_mem>>) {add = true}
          %dma_wait3A_172 = arith.constant 0 : i32
          %dma_wait3A_173 = tpu.memref_slice %arg10[%add3A_128, %dma_wait3A_172] : memref<160x128xi32, #tpu.memory_space<vmem>> -> memref<1x128xi32, #tpu.memory_space<vmem>>
          %dma_wait3A_174 = tpu.memref_squeeze %dma_wait3A_173 : memref<1x128xi32, #tpu.memory_space<vmem>> -> memref<128xi32, #tpu.memory_space<vmem>>
          %dma_wait3A_175 = arith.constant 0 : i32
          %dma_wait3A_176 = tpu.memref_slice %arg17[%dma_wait3A_175] : memref<10240xf32, #tpu.memory_space<vmem_shared>> -> memref<10240xf32, #tpu.memory_space<vmem_shared>>
          tpu.wait_indirect_dma semaphore(%run_scoped3A : memref<!tpu.dma_semaphore, #tpu.memory_space<semaphore_mem>>) src(%arg15 : memref<128xf32, #tpu.memory_space<vmem>>) dst(%dma_wait3A_176 : memref<10240xf32, #tpu.memory_space<vmem_shared>>)
          tpu.yield
        }) : () -> ()
      } else {
      }
      %add3A_147 = arith.constant 3 : i32
      %add3A_148 = arith.addi %add3A_88, %add3A_147 : i32
      %dma_wait3A_149 = arith.constant 0 : i32
      %dma_wait3A_150 = tpu.memref_slice %arg9[%add3A_148, %dma_wait3A_149] : memref<160x128xi32, #tpu.memory_space<vmem>> -> memref<1x128xi32, #tpu.memory_space<vmem>>
      %dma_wait3A_151 = tpu.memref_squeeze %dma_wait3A_150 : memref<1x128xi32, #tpu.memory_space<vmem>> -> memref<128xi32, #tpu.memory_space<vmem>>
      %dma_wait3A_152 = arith.constant 0 : i32
      %dma_wait3A_153 = arith.constant 0 : i32
      %dma_wait3A_154 = tpu.memref_slice %arg2[%dma_wait3A_152, %dma_wait3A_153] : memref<20000x64xf32, #tpu.memory_space<hbm>> -> memref<20000x64xf32, #tpu.memory_space<hbm>>
      tpu.wait_indirect_dma semaphore(%arg21 : memref<!tpu.dma_semaphore, #tpu.memory_space<semaphore_mem>>) src(%dma_wait3A_154 : memref<20000x64xf32, #tpu.memory_space<hbm>>) dst(%arg14 : memref<128x64xf32, #tpu.memory_space<vmem>>)
      %add3A_155 = arith.constant 3 : i32
      %add3A_156 = arith.addi %add3A_148, %add3A_155 : i32
      %lt3A_157 = arith.constant 160 : i32
      %lt3A_158 = arith.cmpi slt, %add3A_156, %lt3A_157 : i32
      %convert_element_type3A_159 = arith.extui %lt3A_158 : i1 to i32
      %cond3A_160 = arith.constant 0 : i32
      %cond3A_161 = arith.cmpi ne, %convert_element_type3A_159, %cond3A_160 : i32
      scf.if %cond3A_161 {
        %add3A_167 = arith.constant 3 : i32
        %add3A_168 = arith.addi %add3A_148, %add3A_167 : i32
        %dma_start3A_169 = arith.constant 0 : i32
        %dma_start3A_170 = tpu.memref_slice %arg9[%add3A_168, %dma_start3A_169] : memref<160x128xi32, #tpu.memory_space<vmem>> -> memref<1x128xi32, #tpu.memory_space<vmem>>
        %dma_start3A_171 = tpu.memref_squeeze %dma_start3A_170 : memref<1x128xi32, #tpu.memory_space<vmem>> -> memref<128xi32, #tpu.memory_space<vmem>>
        %dma_start3A_172 = arith.constant 0 : i32
        %dma_start3A_173 = arith.constant 0 : i32
        %dma_start3A_174 = tpu.memref_slice %arg2[%dma_start3A_172, %dma_start3A_173] : memref<20000x64xf32, #tpu.memory_space<hbm>> -> memref<20000x64xf32, #tpu.memory_space<hbm>>
        tpu.enqueue_indirect_dma source(%dma_start3A_174 : memref<20000x64xf32, #tpu.memory_space<hbm>>) target(%arg13 : memref<128x64xf32, #tpu.memory_space<vmem>>) offsets(%dma_start3A_171 : memref<128xi32, #tpu.memory_space<vmem>>) semaphore(%arg20 : memref<!tpu.dma_semaphore, #tpu.memory_space<semaphore_mem>>)
      } else {
      }
      "tpu.region"() ({
        %run_scoped3A = tpu.sem_alloc : memref<!tpu.dma_semaphore, #tpu.memory_space<semaphore_mem>>
        %dma_start3A_167 = arith.constant 0 : i32
        %dma_start3A_168 = tpu.memref_slice %arg10[%add3A_148, %dma_start3A_167] : memref<160x128xi32, #tpu.memory_space<vmem>> -> memref<1x128xi32, #tpu.memory_space<vmem>>
        %dma_start3A_169 = tpu.memref_squeeze %dma_start3A_168 : memref<1x128xi32, #tpu.memory_space<vmem>> -> memref<128xi32, #tpu.memory_space<vmem>>
        %dma_start3A_170 = arith.constant 0 : i32
        %dma_start3A_171 = arith.constant 0 : i32
        %dma_start3A_172 = tpu.memref_slice %arg16[%dma_start3A_170, %dma_start3A_171] : memref<10240x64xf32, #tpu.memory_space<vmem_shared>> -> memref<10240x64xf32, #tpu.memory_space<vmem_shared>>
        tpu.enqueue_indirect_dma source(%arg14 : memref<128x64xf32, #tpu.memory_space<vmem>>) target(%dma_start3A_172 : memref<10240x64xf32, #tpu.memory_space<vmem_shared>>) offsets(%dma_start3A_169 : memref<128xi32, #tpu.memory_space<vmem>>) semaphore(%run_scoped3A : memref<!tpu.dma_semaphore, #tpu.memory_space<semaphore_mem>>) {add = true}
        %dma_wait3A_173 = arith.constant 0 : i32
        %dma_wait3A_174 = tpu.memref_slice %arg10[%add3A_148, %dma_wait3A_173] : memref<160x128xi32, #tpu.memory_space<vmem>> -> memref<1x128xi32, #tpu.memory_space<vmem>>
        %dma_wait3A_175 = tpu.memref_squeeze %dma_wait3A_174 : memref<1x128xi32, #tpu.memory_space<vmem>> -> memref<128xi32, #tpu.memory_space<vmem>>
        %dma_wait3A_176 = arith.constant 0 : i32
        %dma_wait3A_177 = arith.constant 0 : i32
        %dma_wait3A_178 = tpu.memref_slice %arg16[%dma_wait3A_176, %dma_wait3A_177] : memref<10240x64xf32, #tpu.memory_space<vmem_shared>> -> memref<10240x64xf32, #tpu.memory_space<vmem_shared>>
        tpu.wait_indirect_dma semaphore(%run_scoped3A : memref<!tpu.dma_semaphore, #tpu.memory_space<semaphore_mem>>) src(%arg14 : memref<128x64xf32, #tpu.memory_space<vmem>>) dst(%dma_wait3A_178 : memref<10240x64xf32, #tpu.memory_space<vmem_shared>>)
        tpu.yield
      }) : () -> ()
      %eq3A_162 = arith.constant 0 : i32
      %eq3A_163 = arith.cmpi eq, %arg0, %eq3A_162 : i32
      %convert_element_type3A_164 = arith.extui %eq3A_163 : i1 to i32
      %cond3A_165 = arith.constant 0 : i32
      %cond3A_166 = arith.cmpi ne, %convert_element_type3A_164, %cond3A_165 : i32
      scf.if %cond3A_166 {
        "tpu.region"() ({
          %run_scoped3A = tpu.sem_alloc : memref<!tpu.dma_semaphore, #tpu.memory_space<semaphore_mem>>
          %dma_start3A_167 = arith.constant 0 : i32
          %dma_start3A_168 = tpu.memref_slice %arg10[%add3A_148, %dma_start3A_167] : memref<160x128xi32, #tpu.memory_space<vmem>> -> memref<1x128xi32, #tpu.memory_space<vmem>>
          %dma_start3A_169 = tpu.memref_squeeze %dma_start3A_168 : memref<1x128xi32, #tpu.memory_space<vmem>> -> memref<128xi32, #tpu.memory_space<vmem>>
          %dma_start3A_170 = arith.constant 0 : i32
          %dma_start3A_171 = tpu.memref_slice %arg17[%dma_start3A_170] : memref<10240xf32, #tpu.memory_space<vmem_shared>> -> memref<10240xf32, #tpu.memory_space<vmem_shared>>
          tpu.enqueue_indirect_dma source(%arg15 : memref<128xf32, #tpu.memory_space<vmem>>) target(%dma_start3A_171 : memref<10240xf32, #tpu.memory_space<vmem_shared>>) offsets(%dma_start3A_169 : memref<128xi32, #tpu.memory_space<vmem>>) semaphore(%run_scoped3A : memref<!tpu.dma_semaphore, #tpu.memory_space<semaphore_mem>>) {add = true}
          %dma_wait3A_172 = arith.constant 0 : i32
          %dma_wait3A_173 = tpu.memref_slice %arg10[%add3A_148, %dma_wait3A_172] : memref<160x128xi32, #tpu.memory_space<vmem>> -> memref<1x128xi32, #tpu.memory_space<vmem>>
          %dma_wait3A_174 = tpu.memref_squeeze %dma_wait3A_173 : memref<1x128xi32, #tpu.memory_space<vmem>> -> memref<128xi32, #tpu.memory_space<vmem>>
          %dma_wait3A_175 = arith.constant 0 : i32
          %dma_wait3A_176 = tpu.memref_slice %arg17[%dma_wait3A_175] : memref<10240xf32, #tpu.memory_space<vmem_shared>> -> memref<10240xf32, #tpu.memory_space<vmem_shared>>
          tpu.wait_indirect_dma semaphore(%run_scoped3A : memref<!tpu.dma_semaphore, #tpu.memory_space<semaphore_mem>>) src(%arg15 : memref<128xf32, #tpu.memory_space<vmem>>) dst(%dma_wait3A_176 : memref<10240xf32, #tpu.memory_space<vmem_shared>>)
          tpu.yield
        }) : () -> ()
      } else {
      }
    }
    %scan3A_72 = arith.constant 40 : i32
    %barrier3A_73 = arith.constant 0 : index
    tpu.barrier barrier_id(%barrier3A_73)
    %mul3A_74 = arith.constant 640 : i32
    %mul3A_75 = arith.muli %arg1, %mul3A_74 : i32
    %mul3A_76 = arith.constant 640 : i32
    %mul3A_77 = arith.muli %arg1, %mul3A_76 : i32
    %mul3A_78 = arith.constant 64 : i32
    %mul3A_79 = arith.muli %arg0, %mul3A_78 : i32
    "tpu.region"() ({
      %run_scoped3A = tpu.sem_alloc : memref<!tpu.dma_semaphore, #tpu.memory_space<semaphore_mem>>
      %dma_start3A_85 = tpu.memref_slice %arg7[%mul3A_77, %mul3A_79] : memref<10240x128xf32, #tpu.memory_space<hbm>> -> memref<640x64xf32, #tpu.memory_space<hbm>>
      %dma_start3A_86 = arith.constant 0 : i32
      %dma_start3A_87 = tpu.memref_slice %arg16[%mul3A_75, %dma_start3A_86] : memref<10240x64xf32, #tpu.memory_space<vmem_shared>> -> memref<640x64xf32, #tpu.memory_space<vmem_shared>>
      tpu.enqueue_dma source(%dma_start3A_87 : memref<640x64xf32, #tpu.memory_space<vmem_shared>>) target(%dma_start3A_85 : memref<640x64xf32, #tpu.memory_space<hbm>>) target_semaphore(%run_scoped3A : memref<!tpu.dma_semaphore, #tpu.memory_space<semaphore_mem>>)
      %dma_wait3A = tpu.memref_slice %arg7[%mul3A_77, %mul3A_79] : memref<10240x128xf32, #tpu.memory_space<hbm>> -> memref<640x64xf32, #tpu.memory_space<hbm>>
      %dma_wait3A_88 = arith.constant 0 : i32
      %dma_wait3A_89 = tpu.memref_slice %arg16[%mul3A_75, %dma_wait3A_88] : memref<10240x64xf32, #tpu.memory_space<vmem_shared>> -> memref<640x64xf32, #tpu.memory_space<vmem_shared>>
      tpu.wait_dma2 semaphore(%run_scoped3A : memref<!tpu.dma_semaphore, #tpu.memory_space<semaphore_mem>>) src(%dma_wait3A_89 : memref<640x64xf32, #tpu.memory_space<vmem_shared>>) dst(%dma_wait3A : memref<640x64xf32, #tpu.memory_space<hbm>>)
      tpu.yield
    }) : () -> ()
    %eq3A_80 = arith.constant 0 : i32
    %eq3A_81 = arith.cmpi eq, %arg0, %eq3A_80 : i32
    %convert_element_type3A_82 = arith.extui %eq3A_81 : i1 to i32
    %cond3A_83 = arith.constant 0 : i32
    %cond3A_84 = arith.cmpi ne, %convert_element_type3A_82, %cond3A_83 : i32
    scf.if %cond3A_84 {
      %mul3A_85 = arith.constant 640 : i32
      %mul3A_86 = arith.muli %arg1, %mul3A_85 : i32
      %mul3A_87 = arith.constant 640 : i32
      %mul3A_88 = arith.muli %arg1, %mul3A_87 : i32
      "tpu.region"() ({
        %run_scoped3A = tpu.sem_alloc : memref<!tpu.dma_semaphore, #tpu.memory_space<semaphore_mem>>
        %dma_start3A_89 = tpu.memref_slice %arg8[%mul3A_88] : memref<10240xf32, #tpu.memory_space<hbm>> -> memref<640xf32, #tpu.memory_space<hbm>>
        %dma_start3A_90 = tpu.memref_slice %arg17[%mul3A_86] : memref<10240xf32, #tpu.memory_space<vmem_shared>> -> memref<640xf32, #tpu.memory_space<vmem_shared>>
        tpu.enqueue_dma source(%dma_start3A_90 : memref<640xf32, #tpu.memory_space<vmem_shared>>) target(%dma_start3A_89 : memref<640xf32, #tpu.memory_space<hbm>>) target_semaphore(%run_scoped3A : memref<!tpu.dma_semaphore, #tpu.memory_space<semaphore_mem>>)
        %dma_wait3A = tpu.memref_slice %arg8[%mul3A_88] : memref<10240xf32, #tpu.memory_space<hbm>> -> memref<640xf32, #tpu.memory_space<hbm>>
        %dma_wait3A_91 = tpu.memref_slice %arg17[%mul3A_86] : memref<10240xf32, #tpu.memory_space<vmem_shared>> -> memref<640xf32, #tpu.memory_space<vmem_shared>>
        tpu.wait_dma2 semaphore(%run_scoped3A : memref<!tpu.dma_semaphore, #tpu.memory_space<semaphore_mem>>) src(%dma_wait3A_91 : memref<640xf32, #tpu.memory_space<vmem_shared>>) dst(%dma_wait3A : memref<640xf32, #tpu.memory_space<hbm>>)
        tpu.yield
      }) : () -> ()
    } else {
    }
    return
  }
}

module attributes {stable_mosaic.version = 14 : i64} {
  func.func @_layer1_body(%arg0: i32, %arg1: memref<2000x128xf32, #tpu.memory_space<vmem>>, %arg2: memref<2000x1xf32, #tpu.memory_space<vmem>>, %arg3: memref<2000x128xf32, #tpu.memory_space<vmem>>, %arg4: memref<128x128xf32, #tpu.memory_space<vmem>>, %arg5: memref<128x128xf32, #tpu.memory_space<vmem>>, %arg6: memref<1x128xf32, #tpu.memory_space<vmem>>, %arg7: memref<2000x128xf32, #tpu.memory_space<vmem>>) attributes {dimension_semantics = [#tpu.dimension_semantics<arbitrary>], iteration_bounds = array<i64: 5>, scalar_prefetch = 0 : i64, scratch_operands = 0 : i64, tpu.core_type = #tpu.core_type<tc>, window_params = [{transform_indices = @transform_0, window_bounds = array<i64: 2000, 128>}, {transform_indices = @transform_1, window_bounds = array<i64: 2000, 1>}, {transform_indices = @transform_2, window_bounds = array<i64: 2000, 128>}, {pipeline_mode = #tpu.pipeline_mode<synchronous>, transform_indices = @transform_3, window_bounds = array<i64: 128, 128>}, {pipeline_mode = #tpu.pipeline_mode<synchronous>, transform_indices = @transform_4, window_bounds = array<i64: 128, 128>}, {pipeline_mode = #tpu.pipeline_mode<synchronous>, transform_indices = @transform_5, window_bounds = array<i64: 1, 128>}, {transform_indices = @transform_6, window_bounds = array<i64: 2000, 128>}]} {
    %get3A = arith.constant 0 : index
    %get3A_0 = arith.constant 0 : index
    %get3A_1 = vector.load %arg2[%get3A, %get3A_0] : memref<2000x1xf32, #tpu.memory_space<vmem>>, vector<2000x1xf32>
    %max3A = arith.constant 1.000000e+00 : f32
    %max3A_2 = vector.broadcast %max3A : f32 to vector<2000x1xf32>
    %max3A_3 = arith.maximumf %get3A_1, %max3A_2 : vector<2000x1xf32>
    %div3A = arith.constant 1.000000e+00 : f32
    %div3A_4 = vector.broadcast %div3A : f32 to vector<2000x1xf32>
    %div3A_5 = arith.divf %div3A_4, %max3A_3 : vector<2000x1xf32>
    %get3A_6 = arith.constant 0 : index
    %get3A_7 = arith.constant 0 : index
    %get3A_8 = vector.load %arg1[%get3A_6, %get3A_7] : memref<2000x128xf32, #tpu.memory_space<vmem>>, vector<2000x128xf32>
    %mul3A = vector.broadcast %div3A_5 : vector<2000x1xf32> to vector<2000x128xf32>
    %mul3A_9 = arith.mulf %get3A_8, %mul3A : vector<2000x128xf32>
    %get3A_10 = arith.constant 0 : index
    %get3A_11 = arith.constant 0 : index
    %get3A_12 = vector.load %arg4[%get3A_10, %get3A_11] : memref<128x128xf32, #tpu.memory_space<vmem>>, vector<128x128xf32>
    %dot_general3A = arith.constant dense<0.000000e+00> : vector<2000x128xf32>
    %dot_general3A_13 = tpu.matmul %mul3A_9, %get3A_12, %dot_general3A {dimension_numbers = #tpu.dot_dimension_numbers<[1], [1], [0], [0], [0, 0, 1, 0], [], []>, transpose_lhs_hint = false} : vector<2000x128xf32>, vector<128x128xf32>, vector<2000x128xf32> -> vector<2000x128xf32>
    %get3A_14 = arith.constant 0 : index
    %get3A_15 = arith.constant 0 : index
    %get3A_16 = vector.load %arg3[%get3A_14, %get3A_15] : memref<2000x128xf32, #tpu.memory_space<vmem>>, vector<2000x128xf32>
    %get3A_17 = arith.constant 0 : index
    %get3A_18 = arith.constant 0 : index
    %get3A_19 = vector.load %arg5[%get3A_17, %get3A_18] : memref<128x128xf32, #tpu.memory_space<vmem>>, vector<128x128xf32>
    %dot_general3A_20 = arith.constant dense<0.000000e+00> : vector<2000x128xf32>
    %dot_general3A_21 = tpu.matmul %get3A_16, %get3A_19, %dot_general3A_20 {dimension_numbers = #tpu.dot_dimension_numbers<[1], [1], [0], [0], [0, 0, 1, 0], [], []>, transpose_lhs_hint = false} : vector<2000x128xf32>, vector<128x128xf32>, vector<2000x128xf32> -> vector<2000x128xf32>
    %add3A = arith.addf %dot_general3A_13, %dot_general3A_21 : vector<2000x128xf32>
    %get3A_22 = arith.constant 0 : index
    %get3A_23 = arith.constant 0 : index
    %get3A_24 = vector.load %arg6[%get3A_22, %get3A_23] : memref<1x128xf32, #tpu.memory_space<vmem>>, vector<1x128xf32>
    %add3A_25 = vector.broadcast %get3A_24 : vector<1x128xf32> to vector<2000x128xf32>
    %add3A_26 = arith.addf %add3A, %add3A_25 : vector<2000x128xf32>
    %ge3A = arith.constant 0.000000e+00 : f32
    %ge3A_27 = vector.broadcast %ge3A : f32 to vector<2000x128xf32>
    %ge3A_28 = arith.cmpf oge, %add3A_26, %ge3A_27 : vector<2000x128xf32>
    %mul3A_29 = arith.constant 0.00999999977 : f32
    %mul3A_30 = vector.broadcast %mul3A_29 : f32 to vector<2000x128xf32>
    %mul3A_31 = arith.mulf %mul3A_30, %add3A_26 : vector<2000x128xf32>
    %select_n3A = arith.select %ge3A_28, %add3A_26, %mul3A_31 : vector<2000x128xi1>, vector<2000x128xf32>
    %swap3A = arith.constant 0 : index
    %swap3A_32 = arith.constant 0 : index
    %swap3A_33 = vector.load %arg7[%swap3A, %swap3A_32] : memref<2000x128xf32, #tpu.memory_space<vmem>>, vector<2000x128xf32>
    tpu.vector_store %arg7[%swap3A, %swap3A_32], %select_n3A {strides = array<i32>} : memref<2000x128xf32, #tpu.memory_space<vmem>>, vector<2000x128xf32>,
    return
  }
  func.func @transform_0(%arg0: i32) -> (i32, i32) {
    %c0_i32 = arith.constant 0 : i32
    %c0_i32_0 = arith.constant 0 : i32
    return %arg0, %c0_i32 : i32, i32
  }
  func.func @transform_1(%arg0: i32) -> (i32, i32) {
    %c0_i32 = arith.constant 0 : i32
    %c0_i32_0 = arith.constant 0 : i32
    return %arg0, %c0_i32 : i32, i32
  }
  func.func @transform_2(%arg0: i32) -> (i32, i32) {
    %c0_i32 = arith.constant 0 : i32
    %c0_i32_0 = arith.constant 0 : i32
    return %arg0, %c0_i32 : i32, i32
  }
  func.func @transform_3(%arg0: i32) -> (i32, i32) {
    %c0_i32 = arith.constant 0 : i32
    %c0_i32_0 = arith.constant 0 : i32
    %c0_i32_1 = arith.constant 0 : i32
    return %c0_i32, %c0_i32_0 : i32, i32
  }
  func.func @transform_4(%arg0: i32) -> (i32, i32) {
    %c0_i32 = arith.constant 0 : i32
    %c0_i32_0 = arith.constant 0 : i32
    %c0_i32_1 = arith.constant 0 : i32
    return %c0_i32, %c0_i32_0 : i32, i32
  }
  func.func @transform_5(%arg0: i32) -> (i32, i32) {
    %c0_i32 = arith.constant 0 : i32
    %c0_i32_0 = arith.constant 0 : i32
    %c0_i32_1 = arith.constant 0 : i32
    return %c0_i32, %c0_i32_0 : i32, i32
  }
  func.func @transform_6(%arg0: i32) -> (i32, i32) {
    %c0_i32 = arith.constant 0 : i32
    %c0_i32_0 = arith.constant 0 : i32
    return %arg0, %c0_i32 : i32, i32
  }
}

module attributes {stable_mosaic.version = 14 : i64} {
  func.func @_layer2_body(%arg0: i32, %arg1: memref<2000x128xf32, #tpu.memory_space<vmem>>, %arg2: memref<2000x1xf32, #tpu.memory_space<vmem>>, %arg3: memref<2000x128xf32, #tpu.memory_space<vmem>>, %arg4: memref<128x128xf32, #tpu.memory_space<vmem>>, %arg5: memref<128x128xf32, #tpu.memory_space<vmem>>, %arg6: memref<1x128xf32, #tpu.memory_space<vmem>>, %arg7: memref<2000x1xi32, #tpu.memory_space<vmem>>, %arg8: memref<2000x128xf32, #tpu.memory_space<vmem>>, %arg9: memref<64x128xf32, #tpu.memory_space<vmem>>) attributes {dimension_semantics = [#tpu.dimension_semantics<arbitrary>], iteration_bounds = array<i64: 5>, scalar_prefetch = 0 : i64, scratch_operands = 0 : i64, tpu.core_type = #tpu.core_type<tc>, window_params = [{transform_indices = @transform_0, window_bounds = array<i64: 2000, 128>}, {transform_indices = @transform_1, window_bounds = array<i64: 2000, 1>}, {transform_indices = @transform_2, window_bounds = array<i64: 2000, 128>}, {pipeline_mode = #tpu.pipeline_mode<synchronous>, transform_indices = @transform_3, window_bounds = array<i64: 128, 128>}, {pipeline_mode = #tpu.pipeline_mode<synchronous>, transform_indices = @transform_4, window_bounds = array<i64: 128, 128>}, {pipeline_mode = #tpu.pipeline_mode<synchronous>, transform_indices = @transform_5, window_bounds = array<i64: 1, 128>}, {transform_indices = @transform_6, window_bounds = array<i64: 2000, 1>}, {transform_indices = @transform_7, window_bounds = array<i64: 2000, 128>}, {pipeline_mode = #tpu.pipeline_mode<synchronous>, transform_indices = @transform_8, window_bounds = array<i64: 64, 128>}]} {
    %get3A = arith.constant 0 : index
    %get3A_0 = arith.constant 0 : index
    %get3A_1 = vector.load %arg2[%get3A, %get3A_0] : memref<2000x1xf32, #tpu.memory_space<vmem>>, vector<2000x1xf32>
    %max3A = arith.constant 1.000000e+00 : f32
    %max3A_2 = vector.broadcast %max3A : f32 to vector<2000x1xf32>
    %max3A_3 = arith.maximumf %get3A_1, %max3A_2 : vector<2000x1xf32>
    %div3A = arith.constant 1.000000e+00 : f32
    %div3A_4 = vector.broadcast %div3A : f32 to vector<2000x1xf32>
    %div3A_5 = arith.divf %div3A_4, %max3A_3 : vector<2000x1xf32>
    %get3A_6 = arith.constant 0 : index
    %get3A_7 = arith.constant 0 : index
    %get3A_8 = vector.load %arg1[%get3A_6, %get3A_7] : memref<2000x128xf32, #tpu.memory_space<vmem>>, vector<2000x128xf32>
    %mul3A = vector.broadcast %div3A_5 : vector<2000x1xf32> to vector<2000x128xf32>
    %mul3A_9 = arith.mulf %get3A_8, %mul3A : vector<2000x128xf32>
    %get3A_10 = arith.constant 0 : index
    %get3A_11 = arith.constant 0 : index
    %get3A_12 = vector.load %arg4[%get3A_10, %get3A_11] : memref<128x128xf32, #tpu.memory_space<vmem>>, vector<128x128xf32>
    %dot_general3A = arith.constant dense<0.000000e+00> : vector<2000x128xf32>
    %dot_general3A_13 = tpu.matmul %mul3A_9, %get3A_12, %dot_general3A {dimension_numbers = #tpu.dot_dimension_numbers<[1], [1], [0], [0], [0, 0, 1, 0], [], []>, transpose_lhs_hint = false} : vector<2000x128xf32>, vector<128x128xf32>, vector<2000x128xf32> -> vector<2000x128xf32>
    %get3A_14 = arith.constant 0 : index
    %get3A_15 = arith.constant 0 : index
    %get3A_16 = vector.load %arg3[%get3A_14, %get3A_15] : memref<2000x128xf32, #tpu.memory_space<vmem>>, vector<2000x128xf32>
    %get3A_17 = arith.constant 0 : index
    %get3A_18 = arith.constant 0 : index
    %get3A_19 = vector.load %arg5[%get3A_17, %get3A_18] : memref<128x128xf32, #tpu.memory_space<vmem>>, vector<128x128xf32>
    %dot_general3A_20 = arith.constant dense<0.000000e+00> : vector<2000x128xf32>
    %dot_general3A_21 = tpu.matmul %get3A_16, %get3A_19, %dot_general3A_20 {dimension_numbers = #tpu.dot_dimension_numbers<[1], [1], [0], [0], [0, 0, 1, 0], [], []>, transpose_lhs_hint = false} : vector<2000x128xf32>, vector<128x128xf32>, vector<2000x128xf32> -> vector<2000x128xf32>
    %add3A = arith.addf %dot_general3A_13, %dot_general3A_21 : vector<2000x128xf32>
    %get3A_22 = arith.constant 0 : index
    %get3A_23 = arith.constant 0 : index
    %get3A_24 = vector.load %arg6[%get3A_22, %get3A_23] : memref<1x128xf32, #tpu.memory_space<vmem>>, vector<1x128xf32>
    %add3A_25 = vector.broadcast %get3A_24 : vector<1x128xf32> to vector<2000x128xf32>
    %add3A_26 = arith.addf %add3A, %add3A_25 : vector<2000x128xf32>
    %swap3A = arith.constant 0 : index
    %swap3A_27 = arith.constant 0 : index
    %swap3A_28 = vector.load %arg8[%swap3A, %swap3A_27] : memref<2000x128xf32, #tpu.memory_space<vmem>>, vector<2000x128xf32>
    tpu.vector_store %arg8[%swap3A, %swap3A_27], %add3A_26 {strides = array<i32>} : memref<2000x128xf32, #tpu.memory_space<vmem>>, vector<2000x128xf32>,
    %get3A_29 = arith.constant 0 : index
    %get3A_30 = arith.constant 0 : index
    %get3A_31 = vector.load %arg7[%get3A_29, %get3A_30] : memref<2000x1xi32, #tpu.memory_space<vmem>>, vector<2000x1xi32>
    %iota3A = tpu.iota {dimensions = array<i32: 1>} : vector<2000x64xi32>
    %eq3A = vector.broadcast %get3A_31 : vector<2000x1xi32> to vector<2000x64xi32>
    %eq3A_32 = arith.cmpi eq, %eq3A, %iota3A : vector<2000x64xi32>
    %convert_element_type3A = arith.extui %eq3A_32 : vector<2000x64xi1> to vector<2000x64xi32>
    %convert_element_type3A_33 = arith.sitofp %convert_element_type3A : vector<2000x64xi32> to vector<2000x64xf32>
    %dot_general3A_34 = arith.constant dense<0.000000e+00> : vector<64x128xf32>
    %dot_general3A_35 = tpu.matmul %convert_element_type3A_33, %add3A_26, %dot_general3A_34 {dimension_numbers = #tpu.dot_dimension_numbers<[0], [0], [1], [1], [0, 1, 1, 1], [], []>, transpose_lhs_hint = false} : vector<2000x64xf32>, vector<2000x128xf32>, vector<64x128xf32> -> vector<64x128xf32>
    %eq3A_36 = arith.constant 0 : i32
    %eq3A_37 = arith.cmpi eq, %arg0, %eq3A_36 : i32
    %convert_element_type3A_38 = arith.extui %eq3A_37 : i1 to i32
    %cond3A = arith.constant 0 : i32
    %cond3A_39 = arith.cmpi ne, %convert_element_type3A_38, %cond3A : i32
    scf.if %cond3A_39 {
      %swap3A_44 = arith.constant 0 : index
      %swap3A_45 = arith.constant 0 : index
      %swap3A_46 = vector.load %arg9[%swap3A_44, %swap3A_45] : memref<64x128xf32, #tpu.memory_space<vmem>>, vector<64x128xf32>
      tpu.vector_store %arg9[%swap3A_44, %swap3A_45], %dot_general3A_35 {strides = array<i32>} : memref<64x128xf32, #tpu.memory_space<vmem>>, vector<64x128xf32>,
    } else {
    }
    %gt3A = arith.constant 0 : i32
    %gt3A_40 = arith.cmpi sgt, %arg0, %gt3A : i32
    %convert_element_type3A_41 = arith.extui %gt3A_40 : i1 to i32
    %cond3A_42 = arith.constant 0 : i32
    %cond3A_43 = arith.cmpi ne, %convert_element_type3A_41, %cond3A_42 : i32
    scf.if %cond3A_43 {
      %get3A_44 = arith.constant 0 : index
      %get3A_45 = arith.constant 0 : index
      %get3A_46 = vector.load %arg9[%get3A_44, %get3A_45] : memref<64x128xf32, #tpu.memory_space<vmem>>, vector<64x128xf32>
      %add3A_47 = arith.addf %get3A_46, %dot_general3A_35 : vector<64x128xf32>
      %swap3A_48 = arith.constant 0 : index
      %swap3A_49 = arith.constant 0 : index
      %swap3A_50 = vector.load %arg9[%swap3A_48, %swap3A_49] : memref<64x128xf32, #tpu.memory_space<vmem>>, vector<64x128xf32>
      tpu.vector_store %arg9[%swap3A_48, %swap3A_49], %add3A_47 {strides = array<i32>} : memref<64x128xf32, #tpu.memory_space<vmem>>, vector<64x128xf32>,
    } else {
    }
    return
  }
  func.func @transform_0(%arg0: i32) -> (i32, i32) {
    %c0_i32 = arith.constant 0 : i32
    %c0_i32_0 = arith.constant 0 : i32
    return %arg0, %c0_i32 : i32, i32
  }
  func.func @transform_1(%arg0: i32) -> (i32, i32) {
    %c0_i32 = arith.constant 0 : i32
    %c0_i32_0 = arith.constant 0 : i32
    return %arg0, %c0_i32 : i32, i32
  }
  func.func @transform_2(%arg0: i32) -> (i32, i32) {
    %c0_i32 = arith.constant 0 : i32
    %c0_i32_0 = arith.constant 0 : i32
    return %arg0, %c0_i32 : i32, i32
  }
  func.func @transform_3(%arg0: i32) -> (i32, i32) {
    %c0_i32 = arith.constant 0 : i32
    %c0_i32_0 = arith.constant 0 : i32
    %c0_i32_1 = arith.constant 0 : i32
    return %c0_i32, %c0_i32_0 : i32, i32
  }
  func.func @transform_4(%arg0: i32) -> (i32, i32) {
    %c0_i32 = arith.constant 0 : i32
    %c0_i32_0 = arith.constant 0 : i32
    %c0_i32_1 = arith.constant 0 : i32
    return %c0_i32, %c0_i32_0 : i32, i32
  }
  func.func @transform_5(%arg0: i32) -> (i32, i32) {
    %c0_i32 = arith.constant 0 : i32
    %c0_i32_0 = arith.constant 0 : i32
    %c0_i32_1 = arith.constant 0 : i32
    return %c0_i32, %c0_i32_0 : i32, i32
  }
  func.func @transform_6(%arg0: i32) -> (i32, i32) {
    %c0_i32 = arith.constant 0 : i32
    %c0_i32_0 = arith.constant 0 : i32
    return %arg0, %c0_i32 : i32, i32
  }
  func.func @transform_7(%arg0: i32) -> (i32, i32) {
    %c0_i32 = arith.constant 0 : i32
    %c0_i32_0 = arith.constant 0 : i32
    return %arg0, %c0_i32 : i32, i32
  }
  func.func @transform_8(%arg0: i32) -> (i32, i32) {
    %c0_i32 = arith.constant 0 : i32
    %c0_i32_0 = arith.constant 0 : i32
    %c0_i32_1 = arith.constant 0 : i32
    return %c0_i32, %c0_i32_0 : i32, i32
  }
}

</mosaic_0001>

<sc_bundles>
// kernel: kernel.6.cloned.1.call-start
scs
__scs_entry_jumppad:
0x0: {  	(pc) =	sbr.rel $0x88, $3  }
0x1: {  	(tag) =	ssettag $0x0;
	lr =	simm.s32 $0x1  }
0x2: {  	[smem:$0x3F98] =	sst lr;
	_ =	strace $0xD0000000  }
0x3: {  	_ = 	snop  }
0x4: {  	_ = 	snop  }
0x5: {  	_ = 	snop  }
0x6: {  	_ = 	snop  }
0x7: {  	_ = 	snop  }
__scs_overlays_trampoline_lowered:
0x8: {  	[smem:$0x3FA7] =	sst s0  }
0x9: {  	[smem:$0x3FA8] =	sst s1  }
0xa: {  	[smem:$0x3FA9] =	sst s2  }
0xb: {  	[smem:$0x3FAA] =	sst s3  }
0xc: {  	[smem:$0x3FAB] =	sst s4  }
0xd: {  	[smem:$0x3FAC] =	sst s5  }
0xe: {  	[smem:$0x3FAD] =	sst s6  }
0xf: {  	[smem:$0x3FAE] =	sst s7  }
0x10: {  	[smem:$0x3FAF] =	sst s8  }
0x11: {  	[smem:$0x3FB0] =	sst s9;
	s0 =	simm.s32 @!p0 $0x0  }
0x12: {  	s1 =	sld [smem:$0x3F96];
	s0 =	simm.s32 @p0 $0x1  }
0x13: {  	[smem:$0x3FB1] =	sst s0;
	s0 =	simm.s32 @!p1 $0x0  }
0x14: {  	s2 =	sld [smem:$0x3F95];
	s0 =	simm.s32 @p1 $0x1  }
0x15: {  	[smem:$0x3FB2] =	sst s0;
	s0 =	simm.s32 @!p2 $0x0  }
0x16: {  	s3 =	sld [smem:$0x3FDB];
	s0 =	simm.s32 @p2 $0x1  }
0x17: {  	s4 =	simm.s32 $0x1BF5;
	[smem:$0x3FB4] =	sst s0  }
0x18: {  	s0 =	sld [smem:$0x3F97];
	_ =	swait.ge [sflag:s4], $0x0  }
0x19: {  	s7 =	sld [smem:$0x3F98]  }
0x1a: {  	s8 =	sadd.s32 $0xFFFFE003, lr  }
0x1b: {  	s9 =	sadd.s32 $0xFFFFFEF7, lr;
	s5 =	simm.s32 $0xFFFFFFFF;
	p2 =	slt.u32 s8, $0xFFFFF086  }
0x1c: {  	p1 =	slt.u32 s9, $0xF7A;
	s5 =	simm.s32 @!p2 $0x0  }
0x1d: {  	s5 =	simm.s32 @p1 $0x1;
	p0 =	seq.s32 s7, s2  }
0x1e: {  	s7 =	smul.u32 @!p0 $0xF7A, s2;
	p2 =	seq.s32 @!p0 s5, $0x0  }
0x1f: {  	s9 =	smul.u32 $0xF7A, s1;
	s8 =	simm.s32 @!p0 $0x1BF5;
	p2 =	por !p2, p0  }
0x20: {  	[sflag:s8] =	ssyncset.s32 @!p0 $0xFFFFF086;
	s6 =	sadd.s32 @!p0 s3, s7;
	s7 =	simm.s32 @!p0 $0x108  }
0x21: {  	s3 =	sadd.s32 s3, s9;
	s6 =	sadd.s32 @!p0 $0x88, s6;
	s7 =	simm.s32 @p2 $0x1082  }
0x22: {  	[simem:s7], [sflag:s8] =	dma.local @!p0 [hbm:s6], $0xF7A  }
0x23: {  	s9 =	sor.u32 $0xD0000000, s2;
	s6 =	simm.s32 $0x108;
	_ =	swait.ge @!p0 [sflag:s8], $0x0  }
0x24: {  	s3 =	sadd.s32 $0x88, s3;
	s6 =	simm.s32 @!p1 $0x1082;
	[sflag:s4] =	ssyncset.s32 $0xFFFFF086  }
0x25: {  	[simem:s6], [sflag:s4] =	dma.local [hbm:s3], $0xF7A  }
0x26: {  	[smem:$0x3F98] =	sst s1;
	(tag) =	ssettag s2;
	_ =	strace s9  }
0x27: {  	s1 =	sld [smem:$0x3FA8]  }
0x28: {  	s2 =	sld [smem:$0x3FA9]  }
0x29: {  	s4 =	sld [smem:$0x3FAB]  }
0x2a: {  	p0 =	seq.s32 s5, $0x0;
	s5 =	sld [smem:$0x3FAC]  }
0x2b: {  	s6 =	sld [smem:$0x3FAD]  }
0x2c: {  	s7 =	sld [smem:$0x3FAE]  }
0x2d: {  	s3 =	simm.s32 $0x108;
	s8 =	sld [smem:$0x3FAF]  }
0x2e: {  	s3 =	simm.s32 @!p0 $0x1082;
	s9 =	sld [smem:$0x3FB0]  }
0x2f: {  	lr =	sadd.s32 s0, s3;
	s0 =	sld [smem:$0x3FA7]  }
0x30: {  	s3 =	sld [smem:$0x3FAA]  }
0x31: {  	[smem:$0x3FB3] =	sst s10  }
0x32: {  	s10 =	sld [smem:$0x3FB1];
	_ =	sdelay $0x3  }
0x33: {  	p0 =	seq.s32 s10, $0x1;
	s10 =	sld [smem:$0x3FB3];
	_ =	sdelay $0x3  }
0x34: {  	[smem:$0x3FB3] =	sst s10  }
0x35: {  	s10 =	sld [smem:$0x3FB2];
	_ =	sdelay $0x3  }
0x36: {  	p1 =	seq.s32 s10, $0x1;
	s10 =	sld [smem:$0x3FB3];
	_ =	sdelay $0x3  }
0x37: {  	[smem:$0x3FB3] =	sst s10  }
0x38: {  	s10 =	sld [smem:$0x3FB4]  }
0x39: {  	_ = 	snop;
	(pc) =	sbr.ind lr, $3  }
0x3a: {  	_ = 	snop  }
0x3b: {  	_ = 	snop  }
0x3c: {  	p2 =	seq.s32 s10, $0x1;
	s10 =	sld [smem:$0x3FB3]  }
0x3d: {  	_ =	shalt  }
0x3e: {  	_ =	shalt  }
0x3f: {  	_ =	shalt  }
0x40: {  	_ =	shalt  }
0x41: {  	_ =	shalt  }
0x42: {  	_ =	shalt  }
0x43: {  	_ =	shalt  }
0x44: {  	_ =	shalt  }
0x45: {  	_ =	shalt  }
0x46: {  	_ =	shalt  }
0x47: {  	_ =	shalt  }
0x48: {  	_ =	shalt  }
0x49: {  	_ =	shalt  }
0x4a: {  	_ =	shalt  }
0x4b: {  	_ =	shalt  }
0x4c: {  	_ =	shalt  }
0x4d: {  	_ =	shalt  }
0x4e: {  	_ =	shalt  }
0x4f: {  	_ =	shalt  }
0x50: {  	_ =	shalt  }
0x51: {  	_ =	shalt  }
0x52: {  	_ =	shalt  }
0x53: {  	_ =	shalt  }
0x54: {  	_ =	shalt  }
0x55: {  	_ =	shalt  }
0x56: {  	_ =	shalt  }
0x57: {  	_ =	shalt  }
0x58: {  	_ =	shalt  }
0x59: {  	_ =	shalt  }
0x5a: {  	_ =	shalt  }
0x5b: {  	_ =	shalt  }
0x5c: {  	_ =	shalt  }
0x5d: {  	_ =	shalt  }
0x5e: {  	_ =	shalt  }
0x5f: {  	_ =	shalt  }
0x60: {  	_ =	shalt  }
0x61: {  	_ =	shalt  }
0x62: {  	_ =	shalt  }
0x63: {  	_ =	shalt  }
0x64: {  	_ =	shalt  }
0x65: {  	_ =	shalt  }
0x66: {  	_ =	shalt  }
0x67: {  	_ =	shalt  }
0x68: {  	_ =	shalt  }
0x69: {  	_ =	shalt  }
0x6a: {  	_ =	shalt  }
0x6b: {  	_ =	shalt  }
0x6c: {  	_ =	shalt  }
0x6d: {  	_ =	shalt  }
0x6e: {  	_ =	shalt  }
0x6f: {  	_ =	shalt  }
0x70: {  	_ =	shalt  }
0x71: {  	_ =	shalt  }
0x72: {  	_ =	shalt  }
0x73: {  	_ =	shalt  }
0x74: {  	_ =	shalt  }
0x75: {  	_ =	shalt  }
0x76: {  	_ =	shalt  }
0x77: {  	_ =	shalt  }
0x78: {  	_ =	shalt  }
0x79: {  	_ =	shalt  }
0x7a: {  	_ =	shalt  }
0x7b: {  	_ =	shalt  }
0x7c: {  	_ =	shalt  }
0x7d: {  	_ =	shalt  }
0x7e: {  	_ =	shalt  }
0x7f: {  	_ =	shalt  }
0x80: {  	_ =	shalt  }
0x81: {  	_ =	shalt  }
0x82: {  	_ =	shalt  }
0x83: {  	_ =	shalt  }
0x84: {  	_ =	shalt  }
0x85: {  	_ =	shalt  }
0x86: {  	_ =	shalt  }
0x87: {  	_ =	shalt  }
.Lfunc_end0:
.L_simem_size_0:
called_computation_lowered:
.L_overlay_start_0:
0x88: {  	s2 =	sld [smem:$0x3FD9]  }
0x89: {  	s3 =	sld [smem:$0x3FFE];
	_ =	sdelay $0x1  }
0x8a: {  	s1 =	srdreg.scid  }
0x8b: {  	s0 =	sand.u32 $0x1, s1  }
0x8c: {  	s14 =	sshll.u32 s0, $0xA;
	s2 =	sadd.s32 s3, s2  }
0x8d: {  	s2 =	sadd.s32 s2, s14  }
0x8e: {  	[smem:$0x3FBF] =	sst s2  }
0x8f: {  	_ = 	snop  }
0x90: {  	s2 =	sld [smem:$0x3FD0];
	_ =	sdelay $0x2  }
0x91: {  	s4 =	simm.s32 $0xA;
	s5 =	simm.s32 $0x10;
	s15 =	sld [smem:$0x3FC9]  }
0x92: {  	[smem:s5], [sflag:s4] =	dma.local [hbm:s2], $0x1  }
0x93: {  	_ =	swait.eq [sflag:s4], $0x1  }
0x94: {  	[sflag:s4] =	ssyncset.done $0x0  }
0x95: {  	s16 =	sld [smem:$0x10];
	[sflag:s4] =	ssyncadd.s32 $0xFFFFFFFF  }
0x96: {  	s17 =	sld [smem:$0x11];
	(tm) =	ssettm $0x1  }
0x97: {  	s18 =	sld [smem:$0x3FFB];
	_ =	sdelay $0x3  }
0x98: {  	_ =	strace s18  }
0x99: {  	s5 =	sld [smem:$0x3FFC];
	_ =	sdelay $0x3  }
0x9a: {  	_ =	strace s5  }
0x9b: {  	s5 =	sld [smem:$0x3FFD];
	_ =	sdelay $0x3  }
0x9c: {  	_ =	strace s5  }
0x9d: {  	_ =	strace $0x8FFFFFFF  }
0x9e: {  	s19 =	sld [smem:$0x3FDB];
	_ =	sdelay $0x1  }
0x9f: {  	s6 =	simm.s32 $_scs_section_size  }
0xa0: {  	s7 =	simm.s32 $_size__tile_overlayer_lowered;
	s8 =	simm.s32 $_tile_overlayer_lowered  }
0xa1: {  	s22 =	simm.s32 $0x1BFF;
	s21 =	sshll.u32 s8, $0x1;
	s5 =	sadd.s32 s6, s19  }
0xa2: {  	s9 =	simm.s32 $0x0;
	s20 =	sshll.u32 s7, $0x1;
	s7 =	sadd.s32 s21, s5  }
0xa3: {  	[timem:s9], [sflag:s22] =	dma.local [hbm:s7], s20  }
0xa4: {  	_ =	swait.ge [sflag:s22], s20  }
0xa5: {  	s6 =	ssub.s32 $0x0, s20;
	[sflag:s22] =	ssyncset.done $0x0  }
0xa6: {  	[sflag:s22] =	ssyncadd.s32 s6;
	_ =	sdelay $0x1  }
0xa7: {  	s23 =	simm.s32 $0x1B8B  }
0xa8: {  	_ =	swait.ge [sflag:s23], $0x1  }
0xa9: {  	[sflag:s23] =	ssyncset.done $0x0  }
0xaa: {  	s25 =	simm.s32 $0x1B8E;
	s24 =	sld [smem:$0x3FFE];
	[sflag:s23] =	ssyncadd.s32 $0xFFFFFFFF  }
0xab: {  	s26 =	simm.s32 $execute0_lowered;
	[smem:$0x3FD2] =	sst s25  }
0xac: {  	s7 =	sshll.u32 s26, $0x1;
	_ =	strace $0x80000046;
	[dreg:$0x1] =	wrdreg $0xFFFFFFFF  }
0xad: {  	s28 =	simm.s32 $_size_execute0_lowered;
	s5 =	sadd.s32 s5, s7;
	[dreg:$0x0] =	wrdreg $0x0  }
0xae: {  	s7 =	sshll.u32 s28, $0x1;
	[dreg:$0x2] =	wrdreg s5  }
0xaf: {  	[dreg:$0x3] =	wrdreg s7  }
0xb0: {  	[dreg:$0x4] =	wrdreg $0xC0  }
0xb1: {  	_ =	task [dreg:s9], $0x5FFFF  }
0xb2: {  	[dreg:$0x1] =	wrdreg $0xFFFFFFFF  }
0xb3: {  	[dreg:$0x0] =	wrdreg $0x60  }
0xb4: {  	[dreg:$0x2] =	wrdreg s15  }
0xb5: {  	[dreg:$0x3] =	wrdreg s24  }
0xb6: {  	[dreg:$0x4] =	wrdreg s17  }
0xb7: {  	[dreg:$0x5] =	wrdreg s16  }
0xb8: {  	[dreg:$0x6] =	wrdreg $0x120800  }
0xb9: {  	[dreg:$0x7] =	wrdreg $0x1C0800  }
0xba: {  	[dreg:$0x8] =	wrdreg $0x9  }
0xbb: {  	_ =	task.clear_ibuf [dreg:s9], $0x9FFFF;
	_ =	strace $0x90000046  }
0xbc: {  	s29 =	simm.s32 $0x9;
	_ =	strace $0x80000048  }
0xbd: {  	_ =	swait.ge [sflag:s29], $0x1  }
0xbe: {  	[sflag:s29] =	ssyncadd.s32 $0xFFFFFFFF  }
0xbf: {  	_ =	strace $0x90000048  }
0xc0: {  	_ =	sfence  }
0xc1: {  	s30 =	sld [smem:$0x0];
	_ =	sdelay $0x2  }
0xc2: {  	s31 =	sshll.u32 s1, $0xD;
	s1 =	sshrl.u32 s1, $0x2  }
0xc3: {  	s3 =	sand.u32 $0x4000, s31;
	s1 =	sadd.s32 s1, s30  }
0xc4: {  	s0 =	sor.u32 s3, s0;
	s1 =	sshll.u32 s1, $0x11  }
0xc5: {  	s0 =	sor.u32 s1, s0  }
0xc6: {  	s0 =	sadd.s32 $0x8F2B, s0  }
0xc7: {  	[sflag:s0] =	ssyncadd.remote.s32 $0x1  }
0xc8: {  	_ =	sfence.sel $0xFFFF  }
0xc9: {  	[dreg:$0x0] =	wrdreg $0xFFFFFFFF;
	(pc) =	sbr.abs _section_cstart, $3  }
0xca: {  	[dreg:$0x1] =	wrdreg $0xFFFFFFFF  }
0xcb: {  	_ =	task.clear_ibuf [dreg:s9], $0x2FFFF;
	_ =	strace $0x9FFFFFFF  }
0xcc: {  	(tm) =	ssettm $0x7FFFFFFF  }
0xcd: {  	_ =	shalt  }
tec
execute0_lowered:
.L_overlay_start_1:
0x0: {  	(tag) =	ssettag $0x1  }
0x1: {  	s0 =	rddreg [dreg:$0x0]  }
0x2: {  	s1 =	rddreg [dreg:$0x1]  }
0x3: {  	s2 =	rddreg [dreg:$0x3]  }
0x4: {  	s4 =	rddreg [dreg:$0x4];
	s3 =	srdreg.scid  }
0x5: {  	s15 =	stileid.u32;
	s5 =	rddreg [dreg:$0x5];
	s6 =	simm.s32 $0x0  }
0x6: {  	s18 =	simm.s32 $0x80;
	s19 =	simm.s32 $0xA000;
	s7 =	smul.u32 $0x5000, s15  }
0x7: {  	s20 =	simm.s32 $0xC000;
	s28 =	simm.s32 $0x3;
	s9 =	smul.u32 $0x14000, s15  }
0x8: {  	s29 =	simm.s32 $0x4;
	s3 =	sand.u32 $0x1, s3;
	s12 =	smul.u32 $0x28000, s15  }
0x9: {  	[smem:$0x7FF] =	sst s6;
	s24 =	sadd.s32 $0x20A00, s1;
	s26 =	smul.u32 $0x280, s15  }
0xa: {  	s30 =	sshll.u32 s15, $0x6;
	s15 =	simm.s32 $0x5;
	s8 =	smul.u32 $0x50000, s3  }
0xb: {  	_ =	strace $0x80000047;
	s21 =	sshll.u32 s3, $0x6;
	s23 =	ssub.s32 $0x2, s3  }
0xc: {  	[dreg:$0x7] =	wrdreg s24;
	p0 =	sne.s32 s3, $0x0;
	s24 =	simm.s32 $0x10000  }
0xd: {  	s22 =	sor.u32 s21, s9;
	s13 =	sshrl.u32 s23, $0x1;
	s25 =	sshrl.u32 s12, $0x2  }
0xe: {  	s16 =	sadd.s32 s26, s5;
	s31 =	sshrl.u32 s26, $0x3;
	s26 =	simm.s32 $0x2  }
0xf: {  	s8 =	sadd.s32 s7, s8;
	s7 =	sshrl.u32 s7, $0x3;
	s13 =	ssub.s32 s23, s13  }
0x10: {  	s14 =	sadd.s32 s25, s4;
	s12 =	sadd.s32 s2, s31;
	s17 =	sshrl.u32 @!p0 s16, $0x3  }
0x11: {  	s23 =	simm.s32 $0x1;
	s25 =	simm.s32 $0x6;
	s16 =	simm.s32 $0x0  }
0x12: {  	s8 =	sshrl.u32 s8, $0x3;
	s11 =	sadd.s32 s7, s1;
	s13 =	smax.u32 s13, $0x1  }
0x13: {  	s14 =	sshrl.u32 s14, $0x3;
	s10 =	sadd.s32 s8, s1;
	s8 =	sshrl.u32 s22, $0x3  }
0x14: {  	s22 =	simm.s32 $0xE000;
	s1 =	sadd.s32 s8, s1;
	s8 =	sor.u32 $0x1C05, s30  }
0x15: {  	v0 =	vimm.f32 $1.000000000e+00;
	s9 =	sadd.s32 $0xCA00, s10;
	s10 =	sadd.s32 $0x2A00, s11;
	s11 =	sadd.s32 $0x21E00, s1  }
.LBB2_1:
0x16: {  	s1 =	rddreg [dreg:$0x7]  }
0x17: {  	[spmem:s14], [sflag:s8] =	dma.local [hbm:s1], $0x1400  }
0x18: {  	_ =	swait.ge [sflag:s15], $0x1400  }
0x19: {  	[sflag:s15] =	ssyncset.done $0x0  }
0x1a: {  	[sflag:s15] =	ssyncadd.s32 $0xFFFFEC00  }
0x1b: {  	[tilespmem:s6], [sflag:$0x5] =	stream.linear.gather [hbm4b:s9+s6], $0x5000, $0x38;
	[tilespmem:$0x1C300] =	vst v63  }
0x1c: {  	_ =	swait.ge [sflag:s15], $0x5000  }
0x1d: {  	[sflag:s15] =	ssyncset.done $0x0  }
0x1e: {  	s7 =	simm.s32 $0x5000;
	[sflag:s15] =	ssyncadd.s32 $0xFFFFB000  }
0x1f: {  	[tilespmem:s7], [sflag:$0x5] =	stream.linear.gather [hbm4b:s10+s6], $0x5000, $0x38;
	[tilespmem:$0x1C300] =	vst v63  }
0x20: {  	_ =	swait.ge [sflag:s15], $0x5000  }
0x21: {  	[sflag:s15] =	ssyncset.done $0x0  }
0x22: {  	[sflag:s15] =	ssyncadd.s32 $0xFFFFB000  }
0x23: {  	s3 =	simm.s32 @!p0 $0x5;
	s1 =	rddreg [dreg:$0x2]  }
0x24: {  	[spmem:s17], [sflag:s8] =	dma.local @!p0 [hbm:s1], $0x50  }
0x25: {  	_ =	swait.ge @!p0 [sflag:s3], $0x50  }
0x26: {  	[sflag:s3] =	ssyncset.done @!p0 $0x0  }
0x27: {  	[sflag:s3] =	ssyncadd.s32 @!p0 $0xFFFFFFB0  }
0x28: {  	[tilespmem:$0x12000] =	vst v0  }
0x29: {  	[tilespmem:$0x12010] =	vst v0  }
0x2a: {  	[tilespmem:$0x12020] =	vst v0  }
0x2b: {  	[tilespmem:$0x12030] =	vst v0  }
0x2c: {  	[tilespmem:$0x12040] =	vst v0  }
0x2d: {  	[tilespmem:$0x12050] =	vst v0  }
0x2e: {  	[tilespmem:$0x12060] =	vst v0  }
0x2f: {  	[tilespmem:$0x12070] =	vst v0  }
0x30: {  	[tilespmem:s19], [sflag:$0x1] =	stream.indirect.gather [hbm4b:s0+s18], $0x40, s6, s18, $0xb8;
	[tilespmem:$0x1C300] =	vst v63  }
0x31: {  	_ = 	snop  }
0x32: {  	[tilespmem:s20], [sflag:$0x2] =	stream.indirect.gather [hbm4b:s0+s18], $0x40, s18, s18, $0xb8;
	[tilespmem:$0x1C300] =	vst v63  }
0x33: {  	s21 =	simm.s32 $0x100  }
0x34: {  	[tilespmem:s22], [sflag:$0x3] =	stream.indirect.gather [hbm4b:s0+s18], $0x40, s21, s18, $0xb8;
	[tilespmem:$0x1C300] =	vst v63  }
0x35: {  	[bflag:$0x0] =	sbarrier.arrive $0xFFFF  }
0x36: {  	_ =	swait.ge [sflag:s23], $0x2000  }
0x37: {  	[sflag:s23] =	ssyncset.done $0x0  }
0x38: {  	s2 =	simm.s32 $0x180;
	[sflag:s23] =	ssyncadd.s32 $0xFFFFE000  }
0x39: {  	[tilespmem:s24], [sflag:$0x4] =	stream.indirect.gather [hbm4b:s0+s18], $0x40, s2, s18, $0xb8;
	[tilespmem:$0x1C300] =	vst v63  }
0x3a: {  	s1 =	simm.s32 $0x5000  }
0x3b: {  	[spmem:s4] =	stream.indirect.scatter.add.f32 [tilespmem:s19], [sflag:$0x6], $0x40, s1, s18, $0xb8;
	[tilespmem:$0x1C300] =	vst v63  }
0x3c: {  	_ =	swait.ge [sflag:s25], $0x2000  }
0x3d: {  	s30 =	simm.s32 @!p0 $0x80;
	[sflag:s25] =	ssyncset.done $0x0  }
0x3e: {  	s31 =	simm.s32 @!p0 $0x12000;
	s21 =	simm.s32 @!p0 $0x6;
	[sflag:s25] =	ssyncadd.s32 $0xFFFFE000  }
0x3f: {  	[spmem:s5] =	stream.indirect.scatter.add.f32 @!p0 [tilespmem:s31], [sflag:$0x6], $0x1, s1, s30, $0xb8;
	[tilespmem:$0x1C300] =	vst v63  }
0x40: {  	_ =	swait.ge @!p0 [sflag:s21], $0x80  }
0x41: {  	[sflag:s21] =	ssyncset.done @!p0 $0x0  }
0x42: {  	[sflag:s21] =	ssyncadd.s32 @!p0 $0xFFFFFF80  }
0x43: {  	_ =	swait.ge [sflag:s26], $0x2000  }
0x44: {  	[sflag:s26] =	ssyncset.done $0x0  }
0x45: {  	s7 =	simm.s32 $0x200;
	[sflag:s26] =	ssyncadd.s32 $0xFFFFE000  }
0x46: {  	[tilespmem:s19], [sflag:$0x1] =	stream.indirect.gather [hbm4b:s0+s18], $0x40, s7, s18, $0xb8;
	[tilespmem:$0x1C300] =	vst v63  }
0x47: {  	s1 =	simm.s32 $0x5080  }
0x48: {  	[spmem:s4] =	stream.indirect.scatter.add.f32 [tilespmem:s20], [sflag:$0x6], $0x40, s1, s18, $0xb8;
	[tilespmem:$0x1C300] =	vst v63  }
0x49: {  	_ =	swait.ge [sflag:s25], $0x2000  }
0x4a: {  	[sflag:s25] =	ssyncset.done $0x0  }
0x4b: {  	[sflag:s25] =	ssyncadd.s32 $0xFFFFE000  }
0x4c: {  	[spmem:s5] =	stream.indirect.scatter.add.f32 @!p0 [tilespmem:s31], [sflag:$0x6], $0x1, s1, s30, $0xb8;
	[tilespmem:$0x1C300] =	vst v63  }
0x4d: {  	_ =	swait.ge @!p0 [sflag:s21], $0x80  }
0x4e: {  	[sflag:s21] =	ssyncset.done @!p0 $0x0  }
0x4f: {  	[sflag:s21] =	ssyncadd.s32 @!p0 $0xFFFFFF80  }
0x50: {  	_ =	swait.ge [sflag:s28], $0x2000  }
0x51: {  	[sflag:s28] =	ssyncset.done $0x0  }
0x52: {  	s2 =	simm.s32 $0x280;
	[sflag:s28] =	ssyncadd.s32 $0xFFFFE000  }
0x53: {  	[tilespmem:s20], [sflag:$0x2] =	stream.indirect.gather [hbm4b:s0+s18], $0x40, s2, s18, $0xb8;
	[tilespmem:$0x1C300] =	vst v63  }
0x54: {  	s1 =	simm.s32 $0x5100  }
0x55: {  	[spmem:s4] =	stream.indirect.scatter.add.f32 [tilespmem:s22], [sflag:$0x6], $0x40, s1, s18, $0xb8;
	[tilespmem:$0x1C300] =	vst v63  }
0x56: {  	_ =	swait.ge [sflag:s25], $0x2000  }
0x57: {  	[sflag:s25] =	ssyncset.done $0x0  }
0x58: {  	[sflag:s25] =	ssyncadd.s32 $0xFFFFE000  }
0x59: {  	[spmem:s5] =	stream.indirect.scatter.add.f32 @!p0 [tilespmem:s31], [sflag:$0x6], $0x1, s1, s30, $0xb8;
	[tilespmem:$0x1C300] =	vst v63  }
0x5a: {  	_ =	swait.ge @!p0 [sflag:s21], $0x80  }
0x5b: {  	[sflag:s21] =	ssyncset.done @!p0 $0x0  }
0x5c: {  	[sflag:s21] =	ssyncadd.s32 @!p0 $0xFFFFFF80  }
0x5d: {  	_ =	swait.ge [sflag:s29], $0x2000  }
0x5e: {  	[sflag:s29] =	ssyncset.done $0x0  }
0x5f: {  	s7 =	simm.s32 $0x300;
	[sflag:s29] =	ssyncadd.s32 $0xFFFFE000  }
0x60: {  	[tilespmem:s22], [sflag:$0x3] =	stream.indirect.gather [hbm4b:s0+s18], $0x40, s7, s18, $0xb8;
	[tilespmem:$0x1C300] =	vst v63  }
0x61: {  	s1 =	simm.s32 $0x5180  }
0x62: {  	[spmem:s4] =	stream.indirect.scatter.add.f32 [tilespmem:s24], [sflag:$0x6], $0x40, s1, s18, $0xb8;
	[tilespmem:$0x1C300] =	vst v63  }
0x63: {  	_ =	swait.ge [sflag:s25], $0x2000  }
0x64: {  	[sflag:s25] =	ssyncset.done $0x0  }
0x65: {  	[sflag:s25] =	ssyncadd.s32 $0xFFFFE000  }
0x66: {  	[spmem:s5] =	stream.indirect.scatter.add.f32 @!p0 [tilespmem:s31], [sflag:$0x5], $0x1, s1, s30, $0xb8;
	[tilespmem:$0x1C300] =	vst v63  }
0x67: {  	_ =	swait.ge @!p0 [sflag:s3], $0x80  }
0x68: {  	s1 =	simm.s32 $0x800;
	[sflag:s3] =	ssyncset.done @!p0 $0x0  }
.LBB2_2:
0x69: {  	[sflag:s3] =	ssyncadd.s32 @!p0 $0xFFFFFF80;
	s2 =	smov.u32 s1;
	s1 =	sadd.s32 $0x800, s1  }
0x6a: {  	_ =	swait.ge [sflag:s23], $0x2000;
	p1 =	sne.s32 s1, $0x13800  }
0x6b: {  	s2 =	sshra.s32 s2, $0x2;
	[sflag:s23] =	ssyncset.done $0x0  }
0x6c: {  	s7 =	sadd.s32 $0x180, s2;
	[sflag:s23] =	ssyncadd.s32 $0xFFFFE000  }
0x6d: {  	[tilespmem:s24], [sflag:$0x4] =	stream.indirect.gather [hbm4b:s0+s18], $0x40, s7, s18, $0xb8;
	[tilespmem:$0x1C300] =	vst v63  }
0x6e: {  	s7 =	sadd.s32 $0x5000, s2  }
0x6f: {  	[spmem:s4] =	stream.indirect.scatter.add.f32 [tilespmem:s19], [sflag:$0x6], $0x40, s7, s18, $0xb8;
	[tilespmem:$0x1C300] =	vst v63  }
0x70: {  	_ =	swait.ge [sflag:s25], $0x2000  }
0x71: {  	[sflag:s25] =	ssyncset.done $0x0  }
0x72: {  	[sflag:s25] =	ssyncadd.s32 $0xFFFFE000  }
0x73: {  	[spmem:s5] =	stream.indirect.scatter.add.f32 @!p0 [tilespmem:s31], [sflag:$0x6], $0x1, s7, s30, $0xb8;
	[tilespmem:$0x1C300] =	vst v63  }
0x74: {  	_ =	swait.ge @!p0 [sflag:s21], $0x80  }
0x75: {  	[sflag:s21] =	ssyncset.done @!p0 $0x0  }
0x76: {  	[sflag:s21] =	ssyncadd.s32 @!p0 $0xFFFFFF80  }
0x77: {  	_ =	swait.ge [sflag:s26], $0x2000  }
0x78: {  	[sflag:s26] =	ssyncset.done $0x0  }
0x79: {  	s7 =	sadd.s32 $0x200, s2;
	[sflag:s26] =	ssyncadd.s32 $0xFFFFE000  }
0x7a: {  	[tilespmem:s19], [sflag:$0x1] =	stream.indirect.gather [hbm4b:s0+s18], $0x40, s7, s18, $0xb8;
	[tilespmem:$0x1C300] =	vst v63  }
0x7b: {  	s7 =	sadd.s32 $0x5080, s2  }
0x7c: {  	[spmem:s4] =	stream.indirect.scatter.add.f32 [tilespmem:s20], [sflag:$0x6], $0x40, s7, s18, $0xb8;
	[tilespmem:$0x1C300] =	vst v63  }
0x7d: {  	_ =	swait.ge [sflag:s25], $0x2000  }
0x7e: {  	[sflag:s25] =	ssyncset.done $0x0  }
0x7f: {  	[sflag:s25] =	ssyncadd.s32 $0xFFFFE000  }
0x80: {  	[spmem:s5] =	stream.indirect.scatter.add.f32 @!p0 [tilespmem:s31], [sflag:$0x6], $0x1, s7, s30, $0xb8;
	[tilespmem:$0x1C300] =	vst v63  }
0x81: {  	_ =	swait.ge @!p0 [sflag:s21], $0x80  }
0x82: {  	[sflag:s21] =	ssyncset.done @!p0 $0x0  }
0x83: {  	[sflag:s21] =	ssyncadd.s32 @!p0 $0xFFFFFF80  }
0x84: {  	_ =	swait.ge [sflag:s28], $0x2000  }
0x85: {  	[sflag:s28] =	ssyncset.done $0x0  }
0x86: {  	s7 =	sadd.s32 $0x280, s2;
	[sflag:s28] =	ssyncadd.s32 $0xFFFFE000  }
0x87: {  	[tilespmem:s20], [sflag:$0x2] =	stream.indirect.gather [hbm4b:s0+s18], $0x40, s7, s18, $0xb8;
	[tilespmem:$0x1C300] =	vst v63  }
0x88: {  	s7 =	sadd.s32 $0x5100, s2  }
0x89: {  	[spmem:s4] =	stream.indirect.scatter.add.f32 [tilespmem:s22], [sflag:$0x6], $0x40, s7, s18, $0xb8;
	[tilespmem:$0x1C300] =	vst v63  }
0x8a: {  	_ =	swait.ge [sflag:s25], $0x2000  }
0x8b: {  	[sflag:s25] =	ssyncset.done $0x0  }
0x8c: {  	[sflag:s25] =	ssyncadd.s32 $0xFFFFE000  }
0x8d: {  	[spmem:s5] =	stream.indirect.scatter.add.f32 @!p0 [tilespmem:s31], [sflag:$0x6], $0x1, s7, s30, $0xb8;
	[tilespmem:$0x1C300] =	vst v63  }
0x8e: {  	_ =	swait.ge @!p0 [sflag:s21], $0x80  }
0x8f: {  	[sflag:s21] =	ssyncset.done @!p0 $0x0  }
0x90: {  	[sflag:s21] =	ssyncadd.s32 @!p0 $0xFFFFFF80  }
0x91: {  	_ =	swait.ge [sflag:s29], $0x2000  }
0x92: {  	[sflag:s29] =	ssyncset.done $0x0  }
0x93: {  	s7 =	sadd.s32 $0x300, s2;
	[sflag:s29] =	ssyncadd.s32 $0xFFFFE000  }
0x94: {  	[tilespmem:s22], [sflag:$0x3] =	stream.indirect.gather [hbm4b:s0+s18], $0x40, s7, s18, $0xb8;
	[tilespmem:$0x1C300] =	vst v63  }
0x95: {  	s2 =	sadd.s32 $0x5180, s2  }
0x96: {  	[spmem:s4] =	stream.indirect.scatter.add.f32 [tilespmem:s24], [sflag:$0x6], $0x40, s2, s18, $0xb8;
	[tilespmem:$0x1C300] =	vst v63  }
0x97: {  	_ =	swait.ge [sflag:s25], $0x2000  }
.Ltmp0:
0x98: {  	[sflag:s25] =	ssyncset.done $0x0;
	(pc) =	sbr.rel @p1 .LBB2_2-.Ltmp0, $4  }
0x99: {  	[sflag:s25] =	ssyncadd.s32 $0xFFFFE000  }
0x9a: {  	[spmem:s5] =	stream.indirect.scatter.add.f32 @!p0 [tilespmem:s31], [sflag:$0x5], $0x1, s2, s30, $0xb8;
	[tilespmem:$0x1C300] =	vst v63  }
0x9b: {  	_ =	swait.ge @!p0 [sflag:s3], $0x80  }
0x9c: {  	[sflag:s3] =	ssyncset.done @!p0 $0x0  }
0x9d: {  	[sflag:s3] =	ssyncadd.s32 @!p0 $0xFFFFFF80  }
0x9e: {  	_ =	swait.ge [sflag:s23], $0x2000  }
0x9f: {  	[sflag:s23] =	ssyncset.done $0x0  }
0xa0: {  	s1 =	simm.s32 $0x4F80;
	[sflag:s23] =	ssyncadd.s32 $0xFFFFE000  }
0xa1: {  	[tilespmem:s24], [sflag:$0x4] =	stream.indirect.gather [hbm4b:s0+s18], $0x40, s1, s18, $0xb8;
	[tilespmem:$0x1C300] =	vst v63  }
0xa2: {  	s3 =	simm.s32 $0x9E00  }
0xa3: {  	[spmem:s4] =	stream.indirect.scatter.add.f32 [tilespmem:s19], [sflag:$0x6], $0x40, s3, s18, $0xb8;
	[tilespmem:$0x1C300] =	vst v63  }
0xa4: {  	_ =	swait.ge [sflag:s25], $0x2000  }
0xa5: {  	[sflag:s25] =	ssyncset.done $0x0  }
0xa6: {  	s1 =	simm.s32 @p0 $0x2;
	[sflag:s25] =	ssyncadd.s32 $0xFFFFE000  }
0xa7: {  	_ =	swait.ge @p0 [sflag:s1], $0x2000  }
0xa8: {  	s2 =	simm.s32 @p0 $0x9E80;
	[sflag:s1] =	ssyncset.done @p0 $0x0  }
0xa9: {  	s3 =	simm.s32 @p0 $0xC000;
	[sflag:s1] =	ssyncadd.s32 @p0 $0xFFFFE000;
	s1 =	simm.s32 @p0 $0x80  }
0xaa: {  	[spmem:s4] =	stream.indirect.scatter.add.f32 @p0 [tilespmem:s3], [sflag:$0x6], $0x40, s2, s1, $0xb8;
	[tilespmem:$0x1C300] =	vst v63  }
0xab: {  	s2 =	simm.s32 @p0 $0x6  }
0xac: {  	_ =	swait.ge @p0 [sflag:s2], $0x2000  }
0xad: {  	[sflag:s2] =	ssyncset.done @p0 $0x0  }
0xae: {  	s3 =	simm.s32 @!p0 $0x9E00;
	[sflag:s2] =	ssyncadd.s32 @p0 $0xFFFFE000  }
0xaf: {  	[spmem:s5] =	stream.indirect.scatter.add.f32 @!p0 [tilespmem:s31], [sflag:$0x6], $0x1, s3, s30, $0xb8;
	[tilespmem:$0x1C300] =	vst v63  }
0xb0: {  	_ =	swait.ge @!p0 [sflag:s21], $0x80  }
0xb1: {  	[sflag:s21] =	ssyncset.done @!p0 $0x0  }
0xb2: {  	s3 =	simm.s32 @!p0 $0x2;
	[sflag:s21] =	ssyncadd.s32 @!p0 $0xFFFFFF80  }
0xb3: {  	_ =	swait.ge @!p0 [sflag:s3], $0x2000  }
0xb4: {  	[sflag:s3] =	ssyncset.done @!p0 $0x0  }
0xb5: {  	s7 =	simm.s32 @!p0 $0xC000;
	[sflag:s3] =	ssyncadd.s32 @!p0 $0xFFFFE000;
	s3 =	simm.s32 @!p0 $0x9E80  }
0xb6: {  	[spmem:s4] =	stream.indirect.scatter.add.f32 @!p0 [tilespmem:s7], [sflag:$0x6], $0x40, s3, s30, $0xb8;
	[tilespmem:$0x1C300] =	vst v63  }
0xb7: {  	_ =	swait.ge @!p0 [sflag:s21], $0x2000  }
0xb8: {  	[sflag:s21] =	ssyncset.done @!p0 $0x0  }
0xb9: {  	[sflag:s21] =	ssyncadd.s32 @!p0 $0xFFFFE000  }
0xba: {  	[spmem:s5] =	stream.indirect.scatter.add.f32 @!p0 [tilespmem:s31], [sflag:$0x6], $0x1, s3, s30, $0xb8;
	[tilespmem:$0x1C300] =	vst v63  }
0xbb: {  	_ =	swait.ge @!p0 [sflag:s21], $0x80  }
0xbc: {  	[sflag:s21] =	ssyncset.done @!p0 $0x0  }
0xbd: {  	[sflag:s21] =	ssyncadd.s32 @!p0 $0xFFFFFF80  }
0xbe: {  	_ =	swait.ge [sflag:s28], $0x2000  }
0xbf: {  	[sflag:s28] =	ssyncset.done $0x0  }
0xc0: {  	s7 =	simm.s32 $0x9F00;
	[sflag:s28] =	ssyncadd.s32 $0xFFFFE000  }
0xc1: {  	[spmem:s4] =	stream.indirect.scatter.add.f32 [tilespmem:s22], [sflag:$0x6], $0x40, s7, s18, $0xb8;
	[tilespmem:$0x1C300] =	vst v63  }
0xc2: {  	_ =	swait.ge [sflag:s25], $0x2000  }
0xc3: {  	[sflag:s25] =	ssyncset.done $0x0  }
0xc4: {  	s3 =	simm.s32 @p0 $0x4;
	[sflag:s25] =	ssyncadd.s32 $0xFFFFE000  }
0xc5: {  	_ =	swait.ge @p0 [sflag:s3], $0x2000  }
0xc6: {  	[sflag:s3] =	ssyncset.done @p0 $0x0  }
0xc7: {  	s7 =	simm.s32 @p0 $0x10000;
	[sflag:s3] =	ssyncadd.s32 @p0 $0xFFFFE000;
	s3 =	simm.s32 @p0 $0x9F80  }
0xc8: {  	[spmem:s4] =	stream.indirect.scatter.add.f32 @p0 [tilespmem:s7], [sflag:$0x6], $0x40, s3, s1, $0xb8;
	[tilespmem:$0x1C300] =	vst v63  }
0xc9: {  	_ =	swait.ge @p0 [sflag:s2], $0x2000  }
0xca: {  	[sflag:s2] =	ssyncset.done @p0 $0x0  }
0xcb: {  	s1 =	simm.s32 @!p0 $0x9F00;
	[sflag:s2] =	ssyncadd.s32 @p0 $0xFFFFE000  }
0xcc: {  	[spmem:s5] =	stream.indirect.scatter.add.f32 @!p0 [tilespmem:s31], [sflag:$0x6], $0x1, s1, s30, $0xb8;
	[tilespmem:$0x1C300] =	vst v63  }
0xcd: {  	_ =	swait.ge @!p0 [sflag:s21], $0x80  }
0xce: {  	[sflag:s21] =	ssyncset.done @!p0 $0x0  }
0xcf: {  	s1 =	simm.s32 @!p0 $0x4;
	[sflag:s21] =	ssyncadd.s32 @!p0 $0xFFFFFF80  }
0xd0: {  	_ =	swait.ge @!p0 [sflag:s1], $0x2000  }
0xd1: {  	[sflag:s1] =	ssyncset.done @!p0 $0x0  }
0xd2: {  	s2 =	simm.s32 @!p0 $0x10000;
	[sflag:s1] =	ssyncadd.s32 @!p0 $0xFFFFE000;
	s1 =	simm.s32 @!p0 $0x9F80  }
0xd3: {  	[spmem:s4] =	stream.indirect.scatter.add.f32 @!p0 [tilespmem:s2], [sflag:$0x6], $0x40, s1, s30, $0xb8;
	[tilespmem:$0x1C300] =	vst v63  }
0xd4: {  	_ =	swait.ge @!p0 [sflag:s21], $0x2000  }
0xd5: {  	[sflag:s21] =	ssyncset.done @!p0 $0x0  }
0xd6: {  	[sflag:s21] =	ssyncadd.s32 @!p0 $0xFFFFE000  }
0xd7: {  	[spmem:s5] =	stream.indirect.scatter.add.f32 @!p0 [tilespmem:s31], [sflag:$0x5], $0x1, s1, s30, $0xb8;
	[tilespmem:$0x1C300] =	vst v63  }
0xd8: {  	s1 =	simm.s32 @!p0 $0x5  }
0xd9: {  	_ =	swait.ge @!p0 [sflag:s1], $0x80  }
0xda: {  	[sflag:s1] =	ssyncset.done @!p0 $0x0  }
0xdb: {  	[sflag:s1] =	ssyncadd.s32 @!p0 $0xFFFFFF80  }
0xdc: {  	s30 =	simm.s32 $0x10;
	s31 =	simm.s32 $0x8;
	[bflag:$0x0] =	sbarrier.arrive $0xFFFF  }
0xdd: {  	[hbm:s11@s30], [sflag:s8] =	dma.strided [spmem:s14@s31], $0x1400, s23, $0x8   }
0xde: {  	s16 =	sadd.s32 $0x1, s16;
	_ =	swait.ge [sflag:s15], $0x1400  }
0xdf: {  	p1 =	sne.s32 s16, s13;
	[sflag:s15] =	ssyncset.done $0x0  }
.Ltmp1:
0xe0: {  	[sflag:s15] =	ssyncadd.s32 $0xFFFFEC00;
	(pc) =	sbr.rel @p1 .LBB2_1-.Ltmp1, $4  }
0xe1: {  	[hbm:s12], [sflag:s8] =	dma.local @!p0 [spmem:s17], $0x50  }
0xe2: {  	_ =	swait.ge @!p0 [sflag:s1], $0x50  }
0xe3: {  	[sflag:s1] =	ssyncset.done @!p0 $0x0  }
0xe4: {  	[sflag:s1] =	ssyncadd.s32 @!p0 $0xFFFFFFB0  }
0xe5: {  	_ =	sfence.sel $0x180000  }
0xe6: {  	[bflag:$0x0] =	sbarrier.arrive $0xFFFF  }
0xe7: {  	_ =	strace $0x90000047  }
0xe8: {  	s0 =	stileid.u32;
	[bflag:$0x2] =	sbarrier.arrive $0xFFFF  }
0xe9: {  	p0 =	sne.s32 s0, $0x0;
	s0 =	rddreg [dreg:$0x6]  }
0xea: {  	s0 =	sadd.s32 @!p0 $0x100000, s0  }
0xeb: {  	[sflag:s0] =	ssyncadd.tile.s32 @!p0 $0x1;
	_ =	shalt  }
.Lfunc_end2:
_tile_overlayer_lowered:
.L_overlay_start_2:
0xec: {  	(tag) =	ssettag $0x2  }
0xed: {  	s0 =	rddreg [dreg:$0x0];
	s2 =	stileid.u32  }
0xee: {  	s1 =	rddreg [dreg:$0x1];
	p0 =	sne.s32 s2, $0x0  }
0xef: {  	s3 =	rddreg [dreg:$0x2];
	[bflag:$0x3] =	sbarrier.arrive $0xFFFF;
	s2 =	simm.s32 @!p0 $0x1C05  }
0xf0: {  	[timem:s3], [sflag:s2] =	dma.local @!p0 [hbm:s0], s1  }
0xf1: {  	s0 =	simm.s32 @!p0 $0x5  }
0xf2: {  	_ =	swait.ge @!p0 [sflag:s0], s1  }
0xf3: {  	s1 =	ssub.s32 @!p0 $0x0, s1;
	[sflag:s0] =	ssyncset.done @!p0 $0x0  }
0xf4: {  	[sflag:s0] =	ssyncadd.s32 @!p0 s1  }
0xf5: {  	[bflag:$0x3] =	sbarrier.arrive $0xFFFF  }
0xf6: {  	_ =	shalt  }

// kernel: kernel.9.cloned.1.call-start
scs
__scs_entry_jumppad:
0x0: {  	(pc) =	sbr.rel $0x88, $3  }
0x1: {  	(tag) =	ssettag $0x0;
	lr =	simm.s32 $0x1  }
0x2: {  	[smem:$0x3F98] =	sst lr;
	_ =	strace $0xD0000000  }
0x3: {  	_ = 	snop  }
0x4: {  	_ = 	snop  }
0x5: {  	_ = 	snop  }
0x6: {  	_ = 	snop  }
0x7: {  	_ = 	snop  }
__scs_overlays_trampoline_lowered:
0x8: {  	[smem:$0x3FA7] =	sst s0  }
0x9: {  	[smem:$0x3FA8] =	sst s1  }
0xa: {  	[smem:$0x3FA9] =	sst s2  }
0xb: {  	[smem:$0x3FAA] =	sst s3  }
0xc: {  	[smem:$0x3FAB] =	sst s4  }
0xd: {  	[smem:$0x3FAC] =	sst s5  }
0xe: {  	[smem:$0x3FAD] =	sst s6  }
0xf: {  	[smem:$0x3FAE] =	sst s7  }
0x10: {  	[smem:$0x3FAF] =	sst s8  }
0x11: {  	[smem:$0x3FB0] =	sst s9;
	s0 =	simm.s32 @!p0 $0x0  }
0x12: {  	s1 =	sld [smem:$0x3F96];
	s0 =	simm.s32 @p0 $0x1  }
0x13: {  	[smem:$0x3FB1] =	sst s0;
	s0 =	simm.s32 @!p1 $0x0  }
0x14: {  	s2 =	sld [smem:$0x3F95];
	s0 =	simm.s32 @p1 $0x1  }
0x15: {  	[smem:$0x3FB2] =	sst s0;
	s0 =	simm.s32 @!p2 $0x0  }
0x16: {  	s3 =	sld [smem:$0x3FDB];
	s0 =	simm.s32 @p2 $0x1  }
0x17: {  	s4 =	simm.s32 $0x1BF5;
	[smem:$0x3FB4] =	sst s0  }
0x18: {  	s0 =	sld [smem:$0x3F97];
	_ =	swait.ge [sflag:s4], $0x0  }
0x19: {  	s7 =	sld [smem:$0x3F98]  }
0x1a: {  	s8 =	sadd.s32 $0xFFFFE003, lr  }
0x1b: {  	s9 =	sadd.s32 $0xFFFFFEF7, lr;
	s5 =	simm.s32 $0xFFFFFFFF;
	p2 =	slt.u32 s8, $0xFFFFF086  }
0x1c: {  	p1 =	slt.u32 s9, $0xF7A;
	s5 =	simm.s32 @!p2 $0x0  }
0x1d: {  	s5 =	simm.s32 @p1 $0x1;
	p0 =	seq.s32 s7, s2  }
0x1e: {  	s7 =	smul.u32 @!p0 $0xF7A, s2;
	p2 =	seq.s32 @!p0 s5, $0x0  }
0x1f: {  	s9 =	smul.u32 $0xF7A, s1;
	s8 =	simm.s32 @!p0 $0x1BF5;
	p2 =	por !p2, p0  }
0x20: {  	[sflag:s8] =	ssyncset.s32 @!p0 $0xFFFFF086;
	s6 =	sadd.s32 @!p0 s3, s7;
	s7 =	simm.s32 @!p0 $0x108  }
0x21: {  	s3 =	sadd.s32 s3, s9;
	s6 =	sadd.s32 @!p0 $0x88, s6;
	s7 =	simm.s32 @p2 $0x1082  }
0x22: {  	[simem:s7], [sflag:s8] =	dma.local @!p0 [hbm:s6], $0xF7A  }
0x23: {  	s9 =	sor.u32 $0xD0000000, s2;
	s6 =	simm.s32 $0x108;
	_ =	swait.ge @!p0 [sflag:s8], $0x0  }
0x24: {  	s3 =	sadd.s32 $0x88, s3;
	s6 =	simm.s32 @!p1 $0x1082;
	[sflag:s4] =	ssyncset.s32 $0xFFFFF086  }
0x25: {  	[simem:s6], [sflag:s4] =	dma.local [hbm:s3], $0xF7A  }
0x26: {  	[smem:$0x3F98] =	sst s1;
	(tag) =	ssettag s2;
	_ =	strace s9  }
0x27: {  	s1 =	sld [smem:$0x3FA8]  }
0x28: {  	s2 =	sld [smem:$0x3FA9]  }
0x29: {  	s4 =	sld [smem:$0x3FAB]  }
0x2a: {  	p0 =	seq.s32 s5, $0x0;
	s5 =	sld [smem:$0x3FAC]  }
0x2b: {  	s6 =	sld [smem:$0x3FAD]  }
0x2c: {  	s7 =	sld [smem:$0x3FAE]  }
0x2d: {  	s3 =	simm.s32 $0x108;
	s8 =	sld [smem:$0x3FAF]  }
0x2e: {  	s3 =	simm.s32 @!p0 $0x1082;
	s9 =	sld [smem:$0x3FB0]  }
0x2f: {  	lr =	sadd.s32 s0, s3;
	s0 =	sld [smem:$0x3FA7]  }
0x30: {  	s3 =	sld [smem:$0x3FAA]  }
0x31: {  	[smem:$0x3FB3] =	sst s10  }
0x32: {  	s10 =	sld [smem:$0x3FB1];
	_ =	sdelay $0x3  }
0x33: {  	p0 =	seq.s32 s10, $0x1;
	s10 =	sld [smem:$0x3FB3];
	_ =	sdelay $0x3  }
0x34: {  	[smem:$0x3FB3] =	sst s10  }
0x35: {  	s10 =	sld [smem:$0x3FB2];
	_ =	sdelay $0x3  }
0x36: {  	p1 =	seq.s32 s10, $0x1;
	s10 =	sld [smem:$0x3FB3];
	_ =	sdelay $0x3  }
0x37: {  	[smem:$0x3FB3] =	sst s10  }
0x38: {  	s10 =	sld [smem:$0x3FB4]  }
0x39: {  	_ = 	snop;
	(pc) =	sbr.ind lr, $3  }
0x3a: {  	_ = 	snop  }
0x3b: {  	_ = 	snop  }
0x3c: {  	p2 =	seq.s32 s10, $0x1;
	s10 =	sld [smem:$0x3FB3]  }
0x3d: {  	_ =	shalt  }
0x3e: {  	_ =	shalt  }
0x3f: {  	_ =	shalt  }
0x40: {  	_ =	shalt  }
0x41: {  	_ =	shalt  }
0x42: {  	_ =	shalt  }
0x43: {  	_ =	shalt  }
0x44: {  	_ =	shalt  }
0x45: {  	_ =	shalt  }
0x46: {  	_ =	shalt  }
0x47: {  	_ =	shalt  }
0x48: {  	_ =	shalt  }
0x49: {  	_ =	shalt  }
0x4a: {  	_ =	shalt  }
0x4b: {  	_ =	shalt  }
0x4c: {  	_ =	shalt  }
0x4d: {  	_ =	shalt  }
0x4e: {  	_ =	shalt  }
0x4f: {  	_ =	shalt  }
0x50: {  	_ =	shalt  }
0x51: {  	_ =	shalt  }
0x52: {  	_ =	shalt  }
0x53: {  	_ =	shalt  }
0x54: {  	_ =	shalt  }
0x55: {  	_ =	shalt  }
0x56: {  	_ =	shalt  }
0x57: {  	_ =	shalt  }
0x58: {  	_ =	shalt  }
0x59: {  	_ =	shalt  }
0x5a: {  	_ =	shalt  }
0x5b: {  	_ =	shalt  }
0x5c: {  	_ =	shalt  }
0x5d: {  	_ =	shalt  }
0x5e: {  	_ =	shalt  }
0x5f: {  	_ =	shalt  }
0x60: {  	_ =	shalt  }
0x61: {  	_ =	shalt  }
0x62: {  	_ =	shalt  }
0x63: {  	_ =	shalt  }
0x64: {  	_ =	shalt  }
0x65: {  	_ =	shalt  }
0x66: {  	_ =	shalt  }
0x67: {  	_ =	shalt  }
0x68: {  	_ =	shalt  }
0x69: {  	_ =	shalt  }
0x6a: {  	_ =	shalt  }
0x6b: {  	_ =	shalt  }
0x6c: {  	_ =	shalt  }
0x6d: {  	_ =	shalt  }
0x6e: {  	_ =	shalt  }
0x6f: {  	_ =	shalt  }
0x70: {  	_ =	shalt  }
0x71: {  	_ =	shalt  }
0x72: {  	_ =	shalt  }
0x73: {  	_ =	shalt  }
0x74: {  	_ =	shalt  }
0x75: {  	_ =	shalt  }
0x76: {  	_ =	shalt  }
0x77: {  	_ =	shalt  }
0x78: {  	_ =	shalt  }
0x79: {  	_ =	shalt  }
0x7a: {  	_ =	shalt  }
0x7b: {  	_ =	shalt  }
0x7c: {  	_ =	shalt  }
0x7d: {  	_ =	shalt  }
0x7e: {  	_ =	shalt  }
0x7f: {  	_ =	shalt  }
0x80: {  	_ =	shalt  }
0x81: {  	_ =	shalt  }
0x82: {  	_ =	shalt  }
0x83: {  	_ =	shalt  }
0x84: {  	_ =	shalt  }
0x85: {  	_ =	shalt  }
0x86: {  	_ =	shalt  }
0x87: {  	_ =	shalt  }
.Lfunc_end0:
.L_simem_size_0:
called_computation.1_lowered:
.L_overlay_start_0:
0x88: {  	s2 =	sld [smem:$0x3FD9]  }
0x89: {  	s3 =	sld [smem:$0x3FFE];
	_ =	sdelay $0x1  }
0x8a: {  	s1 =	srdreg.scid  }
0x8b: {  	s0 =	sand.u32 $0x1, s1  }
0x8c: {  	s14 =	sshll.u32 s0, $0xA;
	s2 =	sadd.s32 s3, s2  }
0x8d: {  	s2 =	sadd.s32 s2, s14  }
0x8e: {  	[smem:$0x3FBF] =	sst s2  }
0x8f: {  	_ = 	snop  }
0x90: {  	s2 =	sld [smem:$0x3FD0];
	_ =	sdelay $0x2  }
0x91: {  	s15 =	simm.s32 $0xA;
	s4 =	simm.s32 $0x10  }
0x92: {  	[smem:s4], [sflag:s15] =	dma.local [hbm:s2], $0x1  }
0x93: {  	_ =	swait.eq [sflag:s15], $0x1  }
0x94: {  	[sflag:s15] =	ssyncset.done $0x0  }
0x95: {  	[sflag:s15] =	ssyncadd.s32 $0xFFFFFFFF  }
0x96: {  	s16 =	sld [smem:$0x10];
	(tm) =	ssettm $0x1  }
0x97: {  	s17 =	sld [smem:$0x3FFB];
	_ =	sdelay $0x3  }
0x98: {  	_ =	strace s17  }
0x99: {  	s3 =	sld [smem:$0x3FFC];
	_ =	sdelay $0x3  }
0x9a: {  	_ =	strace s3  }
0x9b: {  	s3 =	sld [smem:$0x3FFD];
	_ =	sdelay $0x3  }
0x9c: {  	_ =	strace s3  }
0x9d: {  	_ =	strace $0x8FFFFFFF  }
0x9e: {  	s18 =	sld [smem:$0x3FDB];
	_ =	sdelay $0x1  }
0x9f: {  	s19 =	simm.s32 $_scs_section_size  }
0xa0: {  	s5 =	simm.s32 $_size__tile_overlayer_lowered;
	s6 =	simm.s32 $_tile_overlayer_lowered  }
0xa1: {  	s22 =	simm.s32 $0x1BFF;
	s21 =	sshll.u32 s6, $0x1;
	s3 =	sadd.s32 s19, s18  }
0xa2: {  	s7 =	simm.s32 $0x0;
	s20 =	sshll.u32 s5, $0x1;
	s5 =	sadd.s32 s21, s3  }
0xa3: {  	[timem:s7], [sflag:s22] =	dma.local [hbm:s5], s20  }
0xa4: {  	_ =	swait.ge [sflag:s22], s20  }
0xa5: {  	s4 =	ssub.s32 $0x0, s20;
	[sflag:s22] =	ssyncset.done $0x0  }
0xa6: {  	[sflag:s22] =	ssyncadd.s32 s4;
	_ =	sdelay $0x1  }
0xa7: {  	s23 =	simm.s32 $0x1B8B  }
0xa8: {  	_ =	swait.ge [sflag:s23], $0x1  }
0xa9: {  	[sflag:s23] =	ssyncset.done $0x0  }
0xaa: {  	s25 =	simm.s32 $0x1B8E;
	s24 =	sld [smem:$0x3FFE];
	[sflag:s23] =	ssyncadd.s32 $0xFFFFFFFF  }
0xab: {  	s26 =	simm.s32 $execute0_lowered;
	[smem:$0x3FD2] =	sst s25  }
0xac: {  	s5 =	sshll.u32 s26, $0x1;
	_ =	strace $0x80000049;
	[dreg:$0x1] =	wrdreg $0xFFFFFFFF  }
0xad: {  	s28 =	simm.s32 $_size_execute0_lowered;
	s3 =	sadd.s32 s3, s5;
	[dreg:$0x0] =	wrdreg $0x0  }
0xae: {  	s5 =	sshll.u32 s28, $0x1;
	[dreg:$0x2] =	wrdreg s3  }
0xaf: {  	[dreg:$0x3] =	wrdreg s5  }
0xb0: {  	[dreg:$0x4] =	wrdreg $0xC0  }
0xb1: {  	_ =	task [dreg:s7], $0x5FFFF  }
0xb2: {  	[dreg:$0x1] =	wrdreg $0xFFFFFFFF  }
0xb3: {  	[dreg:$0x0] =	wrdreg $0x60  }
0xb4: {  	[dreg:$0x2] =	wrdreg s16  }
0xb5: {  	[dreg:$0x3] =	wrdreg s24  }
0xb6: {  	[dreg:$0x4] =	wrdreg $0x120000  }
0xb7: {  	[dreg:$0x5] =	wrdreg $0x9  }
0xb8: {  	_ =	task.clear_ibuf [dreg:s7], $0x6FFFF;
	_ =	strace $0x90000049  }
0xb9: {  	s29 =	simm.s32 $0x9;
	_ =	strace $0x8000004B  }
0xba: {  	_ =	swait.ge [sflag:s29], $0x1  }
0xbb: {  	[sflag:s29] =	ssyncadd.s32 $0xFFFFFFFF  }
0xbc: {  	_ =	strace $0x9000004B  }
0xbd: {  	_ =	sfence  }
0xbe: {  	s30 =	sld [smem:$0x0];
	_ =	sdelay $0x2  }
0xbf: {  	s31 =	sshll.u32 s1, $0xD;
	s1 =	sshrl.u32 s1, $0x2  }
0xc0: {  	s3 =	sand.u32 $0x4000, s31;
	s1 =	sadd.s32 s1, s30  }
0xc1: {  	s0 =	sor.u32 s3, s0;
	s1 =	sshll.u32 s1, $0x11  }
0xc2: {  	s0 =	sor.u32 s1, s0  }
0xc3: {  	s0 =	sadd.s32 $0x8F2B, s0  }
0xc4: {  	[sflag:s0] =	ssyncadd.remote.s32 $0x1  }
0xc5: {  	_ =	sfence.sel $0xFFFF  }
0xc6: {  	[dreg:$0x0] =	wrdreg $0xFFFFFFFF;
	(pc) =	sbr.abs _section_cstart, $3  }
0xc7: {  	[dreg:$0x1] =	wrdreg $0xFFFFFFFF  }
0xc8: {  	_ =	task.clear_ibuf [dreg:s7], $0x2FFFF;
	_ =	strace $0x9FFFFFFF  }
0xc9: {  	(tm) =	ssettm $0x7FFFFFFF  }
tec
execute0_lowered:
.L_overlay_start_1:
0x0: {  	(tag) =	ssettag $0x1  }
0x1: {  	s1 =	rddreg [dreg:$0x0]  }
0x2: {  	s0 =	rddreg [dreg:$0x1];
	s2 =	srdreg.scid  }
0x3: {  	s11 =	stileid.u32;
	s3 =	rddreg [dreg:$0x2]  }
0x4: {  	s4 =	simm.s32 $0x0;
	s12 =	simm.s32 $0x5;
	s14 =	simm.s32 $0x80  }
0x5: {  	s15 =	simm.s32 $0xA000;
	s16 =	simm.s32 $0xC000;
	s18 =	simm.s32 $0xE000  }
0x6: {  	s19 =	simm.s32 $0x1;
	s28 =	simm.s32 $0x9F00;
	s5 =	smul.u32 $0x5000, s11  }
0x7: {  	s29 =	simm.s32 $0x9F80;
	s30 =	simm.s32 $0x10;
	s7 =	smul.u32 $0x14000, s11  }
0x8: {  	s31 =	simm.s32 $0x8;
	s2 =	sand.u32 $0x1, s2;
	s22 =	smul.u32 $0x28000, s11  }
0x9: {  	[smem:$0x7FF] =	sst s4;
	s25 =	sshll.u32 s11, $0x6;
	s6 =	smul.u32 $0x50000, s2  }
0xa: {  	_ =	strace $0x8000004A;
	s8 =	sshll.u32 s2, $0x6;
	s2 =	ssub.s32 $0x2, s2  }
0xb: {  	s20 =	sor.u32 s8, s7;
	s23 =	sshrl.u32 s2, $0x1;
	s24 =	sshrl.u32 s22, $0x2  }
0xc: {  	s22 =	simm.s32 $0x3;
	s6 =	sadd.s32 s5, s6;
	s5 =	sshrl.u32 s5, $0x3  }
0xd: {  	s21 =	sshrl.u32 s20, $0x3;
	s2 =	ssub.s32 s2, s23;
	s26 =	sadd.s32 s24, s3  }
0xe: {  	s20 =	simm.s32 $0x10000;
	s23 =	simm.s32 $0x4;
	s24 =	simm.s32 $0x4F80  }
0xf: {  	s6 =	sshrl.u32 s6, $0x3;
	s10 =	sadd.s32 s5, s0;
	s5 =	sadd.s32 $0x20A00, s0  }
0x10: {  	s11 =	sshrl.u32 s26, $0x3;
	s26 =	simm.s32 $0x9E80;
	s9 =	sadd.s32 s6, s0  }
0x11: {  	s0 =	sadd.s32 s21, s0;
	s6 =	sor.u32 $0x1C05, s25;
	s8 =	sadd.s32 $0x2A00, s10  }
0x12: {  	s10 =	smax.u32 s2, $0x1;
	s21 =	simm.s32 $0x2;
	s25 =	simm.s32 $0x9E00  }
0x13: {  	s2 =	simm.s32 $0x0;
	s7 =	sadd.s32 $0xCA00, s9;
	s9 =	sadd.s32 $0x21E00, s0  }
.LBB2_1:
0x14: {  	[spmem:s11], [sflag:s6] =	dma.local [hbm:s5], $0x1400  }
0x15: {  	_ =	swait.ge [sflag:s12], $0x1400  }
0x16: {  	[sflag:s12] =	ssyncset.done $0x0  }
0x17: {  	[sflag:s12] =	ssyncadd.s32 $0xFFFFEC00  }
0x18: {  	[tilespmem:s4], [sflag:$0x5] =	stream.linear.gather [hbm4b:s7+s4], $0x5000, $0x38;
	[tilespmem:$0x1C000] =	vst v63  }
0x19: {  	_ =	swait.ge [sflag:s12], $0x5000  }
0x1a: {  	[sflag:s12] =	ssyncset.done $0x0  }
0x1b: {  	s0 =	simm.s32 $0x5000;
	[sflag:s12] =	ssyncadd.s32 $0xFFFFB000  }
0x1c: {  	[tilespmem:s0], [sflag:$0x5] =	stream.linear.gather [hbm4b:s8+s4], $0x5000, $0x38;
	[tilespmem:$0x1C000] =	vst v63  }
0x1d: {  	_ =	swait.ge [sflag:s12], $0x5000  }
0x1e: {  	[sflag:s12] =	ssyncset.done $0x0  }
0x1f: {  	[sflag:s12] =	ssyncadd.s32 $0xFFFFB000  }
0x20: {  	[tilespmem:s15], [sflag:$0x1] =	stream.indirect.gather [hbm4b:s1+s14], $0x40, s4, s14, $0xb8;
	[tilespmem:$0x1C000] =	vst v63  }
0x21: {  	_ = 	snop  }
0x22: {  	[tilespmem:s16], [sflag:$0x2] =	stream.indirect.gather [hbm4b:s1+s14], $0x40, s14, s14, $0xb8;
	[tilespmem:$0x1C000] =	vst v63  }
0x23: {  	s17 =	simm.s32 $0x100  }
0x24: {  	[tilespmem:s18], [sflag:$0x3] =	stream.indirect.gather [hbm4b:s1+s14], $0x40, s17, s14, $0xb8;
	[tilespmem:$0x1C000] =	vst v63  }
0x25: {  	[bflag:$0x0] =	sbarrier.arrive $0xFFFF  }
0x26: {  	_ =	swait.ge [sflag:s19], $0x2000  }
0x27: {  	[sflag:s19] =	ssyncset.done $0x0  }
0x28: {  	s13 =	simm.s32 $0x180;
	[sflag:s19] =	ssyncadd.s32 $0xFFFFE000  }
0x29: {  	[tilespmem:s20], [sflag:$0x4] =	stream.indirect.gather [hbm4b:s1+s14], $0x40, s13, s14, $0xb8;
	[tilespmem:$0x1C000] =	vst v63  }
0x2a: {  	s17 =	simm.s32 $0x5000  }
0x2b: {  	[spmem:s3] =	stream.indirect.scatter.add.f32 [tilespmem:s15], [sflag:$0x5], $0x40, s17, s14, $0xb8;
	[tilespmem:$0x1C000] =	vst v63  }
0x2c: {  	_ =	swait.ge [sflag:s12], $0x2000  }
0x2d: {  	[sflag:s12] =	ssyncset.done $0x0  }
0x2e: {  	[sflag:s12] =	ssyncadd.s32 $0xFFFFE000  }
0x2f: {  	_ =	swait.ge [sflag:s21], $0x2000  }
0x30: {  	[sflag:s21] =	ssyncset.done $0x0  }
0x31: {  	s13 =	simm.s32 $0x200;
	[sflag:s21] =	ssyncadd.s32 $0xFFFFE000  }
0x32: {  	[tilespmem:s15], [sflag:$0x1] =	stream.indirect.gather [hbm4b:s1+s14], $0x40, s13, s14, $0xb8;
	[tilespmem:$0x1C000] =	vst v63  }
0x33: {  	s17 =	simm.s32 $0x5080  }
0x34: {  	[spmem:s3] =	stream.indirect.scatter.add.f32 [tilespmem:s16], [sflag:$0x5], $0x40, s17, s14, $0xb8;
	[tilespmem:$0x1C000] =	vst v63  }
0x35: {  	_ =	swait.ge [sflag:s12], $0x2000  }
0x36: {  	[sflag:s12] =	ssyncset.done $0x0  }
0x37: {  	[sflag:s12] =	ssyncadd.s32 $0xFFFFE000  }
0x38: {  	_ =	swait.ge [sflag:s22], $0x2000  }
0x39: {  	[sflag:s22] =	ssyncset.done $0x0  }
0x3a: {  	s13 =	simm.s32 $0x280;
	[sflag:s22] =	ssyncadd.s32 $0xFFFFE000  }
0x3b: {  	[tilespmem:s16], [sflag:$0x2] =	stream.indirect.gather [hbm4b:s1+s14], $0x40, s13, s14, $0xb8;
	[tilespmem:$0x1C000] =	vst v63  }
0x3c: {  	s17 =	simm.s32 $0x5100  }
0x3d: {  	[spmem:s3] =	stream.indirect.scatter.add.f32 [tilespmem:s18], [sflag:$0x5], $0x40, s17, s14, $0xb8;
	[tilespmem:$0x1C000] =	vst v63  }
0x3e: {  	_ =	swait.ge [sflag:s12], $0x2000  }
0x3f: {  	[sflag:s12] =	ssyncset.done $0x0  }
0x40: {  	[sflag:s12] =	ssyncadd.s32 $0xFFFFE000  }
0x41: {  	_ =	swait.ge [sflag:s23], $0x2000  }
0x42: {  	[sflag:s23] =	ssyncset.done $0x0  }
0x43: {  	s13 =	simm.s32 $0x300;
	[sflag:s23] =	ssyncadd.s32 $0xFFFFE000  }
0x44: {  	[tilespmem:s18], [sflag:$0x3] =	stream.indirect.gather [hbm4b:s1+s14], $0x40, s13, s14, $0xb8;
	[tilespmem:$0x1C000] =	vst v63  }
0x45: {  	s17 =	simm.s32 $0x5180  }
0x46: {  	[spmem:s3] =	stream.indirect.scatter.add.f32 [tilespmem:s20], [sflag:$0x5], $0x40, s17, s14, $0xb8;
	[tilespmem:$0x1C000] =	vst v63  }
0x47: {  	_ =	swait.ge [sflag:s12], $0x2000  }
0x48: {  	s0 =	simm.s32 $0x800;
	[sflag:s12] =	ssyncset.done $0x0  }
.LBB2_2:
0x49: {  	p0 =	sne.s32 s0, $0x13000  }
0x4a: {  	[sflag:s12] =	ssyncadd.s32 $0xFFFFE000;
	s13 =	smov.u32 s0;
	s0 =	sadd.s32 $0x800, s0  }
0x4b: {  	_ = 	snop  }
0x4c: {  	_ =	swait.ge [sflag:s19], $0x2000  }
0x4d: {  	s13 =	sshra.s32 s13, $0x2;
	[sflag:s19] =	ssyncset.done $0x0  }
0x4e: {  	s17 =	sadd.s32 $0x180, s13;
	[sflag:s19] =	ssyncadd.s32 $0xFFFFE000  }
0x4f: {  	[tilespmem:s20], [sflag:$0x4] =	stream.indirect.gather [hbm4b:s1+s14], $0x40, s17, s14, $0xb8;
	[tilespmem:$0x1C000] =	vst v63  }
0x50: {  	s17 =	sadd.s32 $0x5000, s13  }
0x51: {  	[spmem:s3] =	stream.indirect.scatter.add.f32 [tilespmem:s15], [sflag:$0x5], $0x40, s17, s14, $0xb8;
	[tilespmem:$0x1C000] =	vst v63  }
0x52: {  	_ =	swait.ge [sflag:s12], $0x2000  }
0x53: {  	[sflag:s12] =	ssyncset.done $0x0  }
0x54: {  	[sflag:s12] =	ssyncadd.s32 $0xFFFFE000  }
0x55: {  	_ =	swait.ge [sflag:s21], $0x2000  }
0x56: {  	[sflag:s21] =	ssyncset.done $0x0  }
0x57: {  	s17 =	sadd.s32 $0x200, s13;
	[sflag:s21] =	ssyncadd.s32 $0xFFFFE000  }
0x58: {  	[tilespmem:s15], [sflag:$0x1] =	stream.indirect.gather [hbm4b:s1+s14], $0x40, s17, s14, $0xb8;
	[tilespmem:$0x1C000] =	vst v63  }
0x59: {  	s17 =	sadd.s32 $0x5080, s13  }
0x5a: {  	[spmem:s3] =	stream.indirect.scatter.add.f32 [tilespmem:s16], [sflag:$0x5], $0x40, s17, s14, $0xb8;
	[tilespmem:$0x1C000] =	vst v63  }
0x5b: {  	_ =	swait.ge [sflag:s12], $0x2000  }
0x5c: {  	[sflag:s12] =	ssyncset.done $0x0  }
0x5d: {  	[sflag:s12] =	ssyncadd.s32 $0xFFFFE000  }
0x5e: {  	_ =	swait.ge [sflag:s22], $0x2000  }
0x5f: {  	[sflag:s22] =	ssyncset.done $0x0  }
0x60: {  	s17 =	sadd.s32 $0x280, s13;
	[sflag:s22] =	ssyncadd.s32 $0xFFFFE000  }
0x61: {  	[tilespmem:s16], [sflag:$0x2] =	stream.indirect.gather [hbm4b:s1+s14], $0x40, s17, s14, $0xb8;
	[tilespmem:$0x1C000] =	vst v63  }
0x62: {  	s17 =	sadd.s32 $0x5100, s13  }
0x63: {  	[spmem:s3] =	stream.indirect.scatter.add.f32 [tilespmem:s18], [sflag:$0x5], $0x40, s17, s14, $0xb8;
	[tilespmem:$0x1C000] =	vst v63  }
0x64: {  	_ =	swait.ge [sflag:s12], $0x2000  }
0x65: {  	[sflag:s12] =	ssyncset.done $0x0  }
0x66: {  	[sflag:s12] =	ssyncadd.s32 $0xFFFFE000  }
0x67: {  	_ =	swait.ge [sflag:s23], $0x2000  }
0x68: {  	[sflag:s23] =	ssyncset.done $0x0  }
0x69: {  	s17 =	sadd.s32 $0x300, s13;
	[sflag:s23] =	ssyncadd.s32 $0xFFFFE000  }
0x6a: {  	[tilespmem:s18], [sflag:$0x3] =	stream.indirect.gather [hbm4b:s1+s14], $0x40, s17, s14, $0xb8;
	[tilespmem:$0x1C000] =	vst v63  }
.Ltmp0:
0x6b: {  	_ = 	snop;
	(pc) =	sbr.rel @p0 .LBB2_2-.Ltmp0, $4  }
0x6c: {  	s13 =	sadd.s32 $0x5180, s13  }
0x6d: {  	[spmem:s3] =	stream.indirect.scatter.add.f32 [tilespmem:s20], [sflag:$0x5], $0x40, s13, s14, $0xb8;
	[tilespmem:$0x1C000] =	vst v63  }
0x6e: {  	_ =	swait.ge [sflag:s12], $0x2000  }
0x6f: {  	[sflag:s12] =	ssyncset.done $0x0  }
0x70: {  	[sflag:s12] =	ssyncadd.s32 $0xFFFFE000  }
0x71: {  	_ =	swait.ge [sflag:s19], $0x2000  }
0x72: {  	[sflag:s19] =	ssyncset.done $0x0  }
0x73: {  	[sflag:s19] =	ssyncadd.s32 $0xFFFFE000  }
0x74: {  	[tilespmem:s20], [sflag:$0x4] =	stream.indirect.gather [hbm4b:s1+s14], $0x40, s24, s14, $0xb8;
	[tilespmem:$0x1C000] =	vst v63  }
0x75: {  	_ = 	snop  }
0x76: {  	[spmem:s3] =	stream.indirect.scatter.add.f32 [tilespmem:s15], [sflag:$0x5], $0x40, s25, s14, $0xb8;
	[tilespmem:$0x1C000] =	vst v63  }
0x77: {  	_ =	swait.ge [sflag:s12], $0x2000  }
0x78: {  	[sflag:s12] =	ssyncset.done $0x0  }
0x79: {  	[sflag:s12] =	ssyncadd.s32 $0xFFFFE000  }
0x7a: {  	_ =	swait.ge [sflag:s21], $0x2000  }
0x7b: {  	[sflag:s21] =	ssyncset.done $0x0  }
0x7c: {  	[sflag:s21] =	ssyncadd.s32 $0xFFFFE000  }
0x7d: {  	[spmem:s3] =	stream.indirect.scatter.add.f32 [tilespmem:s16], [sflag:$0x5], $0x40, s26, s14, $0xb8;
	[tilespmem:$0x1C000] =	vst v63  }
0x7e: {  	_ =	swait.ge [sflag:s12], $0x2000  }
0x7f: {  	[sflag:s12] =	ssyncset.done $0x0  }
0x80: {  	[sflag:s12] =	ssyncadd.s32 $0xFFFFE000  }
0x81: {  	_ =	swait.ge [sflag:s22], $0x2000  }
0x82: {  	[sflag:s22] =	ssyncset.done $0x0  }
0x83: {  	[sflag:s22] =	ssyncadd.s32 $0xFFFFE000  }
0x84: {  	[spmem:s3] =	stream.indirect.scatter.add.f32 [tilespmem:s18], [sflag:$0x5], $0x40, s28, s14, $0xb8;
	[tilespmem:$0x1C000] =	vst v63  }
0x85: {  	_ =	swait.ge [sflag:s12], $0x2000  }
0x86: {  	[sflag:s12] =	ssyncset.done $0x0  }
0x87: {  	[sflag:s12] =	ssyncadd.s32 $0xFFFFE000  }
0x88: {  	_ =	swait.ge [sflag:s23], $0x2000  }
0x89: {  	[sflag:s23] =	ssyncset.done $0x0  }
0x8a: {  	[sflag:s23] =	ssyncadd.s32 $0xFFFFE000  }
0x8b: {  	[spmem:s3] =	stream.indirect.scatter.add.f32 [tilespmem:s20], [sflag:$0x5], $0x40, s29, s14, $0xb8;
	[tilespmem:$0x1C000] =	vst v63  }
0x8c: {  	_ =	swait.ge [sflag:s12], $0x2000  }
0x8d: {  	s2 =	sadd.s32 $0x1, s2;
	[sflag:s12] =	ssyncset.done $0x0  }
0x8e: {  	p0 =	sne.s32 s2, s10;
	[sflag:s12] =	ssyncadd.s32 $0xFFFFE000  }
.Ltmp1:
0x8f: {  	[bflag:$0x0] =	sbarrier.arrive $0xFFFF;
	(pc) =	sbr.rel @p0 .LBB2_1-.Ltmp1, $4  }
0x90: {  	[hbm:s9@s30], [sflag:s6] =	dma.strided [spmem:s11@s31], $0x1400, s19, $0x8   }
0x91: {  	_ =	swait.ge [sflag:s12], $0x1400  }
0x92: {  	[sflag:s12] =	ssyncset.done $0x0  }
0x93: {  	[sflag:s12] =	ssyncadd.s32 $0xFFFFEC00  }
0x94: {  	_ =	sfence.sel $0x180000  }
0x95: {  	[bflag:$0x0] =	sbarrier.arrive $0xFFFF  }
0x96: {  	_ =	strace $0x9000004A  }
0x97: {  	s0 =	stileid.u32;
	[bflag:$0x2] =	sbarrier.arrive $0xFFFF  }
0x98: {  	p0 =	sne.s32 s0, $0x0;
	s0 =	rddreg [dreg:$0x3]  }
0x99: {  	s0 =	sadd.s32 @!p0 $0x100000, s0  }
0x9a: {  	[sflag:s0] =	ssyncadd.tile.s32 @!p0 $0x1;
	_ =	shalt  }
.Lfunc_end2:
_tile_overlayer_lowered:
.L_overlay_start_2:
0x9b: {  	(tag) =	ssettag $0x2  }
0x9c: {  	s0 =	rddreg [dreg:$0x0];
	s2 =	stileid.u32  }
0x9d: {  	s1 =	rddreg [dreg:$0x1];
	p0 =	sne.s32 s2, $0x0  }
0x9e: {  	s3 =	rddreg [dreg:$0x2];
	[bflag:$0x3] =	sbarrier.arrive $0xFFFF;
	s2 =	simm.s32 @!p0 $0x1C05  }
0x9f: {  	[timem:s3], [sflag:s2] =	dma.local @!p0 [hbm:s0], s1  }
0xa0: {  	s0 =	simm.s32 @!p0 $0x5  }
0xa1: {  	_ =	swait.ge @!p0 [sflag:s0], s1  }
0xa2: {  	s1 =	ssub.s32 @!p0 $0x0, s1;
	[sflag:s0] =	ssyncset.done @!p0 $0x0  }
0xa3: {  	[sflag:s0] =	ssyncadd.s32 @!p0 s1  }
0xa4: {  	[bflag:$0x3] =	sbarrier.arrive $0xFFFF  }
0xa5: {  	_ =	shalt  }

</sc_bundles>
